<compile_context>
chip_gen: v7x
topology: tpu7x:2x2x1
jax: 0.10.2.dev20260603
libtpu: 0.0.44.dev20260713+nightly
codegen_flags: <defaults>
</compile_context>

<pallas_src>
import dataclasses

import jax
import jax.numpy as jnp
from jax import lax
from jax.experimental import pallas as pl
from jax.experimental.pallas import tpu as pltpu
from jax.experimental.pallas import tpu_sc as plsc

B = 8
N = 4096
HALF = 2048
NUM_TO_SAMPLE = 2048
EXCHANGE = 204
CUT = NUM_TO_SAMPLE - EXCHANGE
TAIL0 = 1840
TAILN = HALF - TAIL0
ONE_BITS = 0x3F800000
L = 16
NVEC = HALF // L
RADIX_BITS = 10
RADIX = 1 << RADIX_BITS
NPASS = 3


def _sc_body(cn_hbm, fps_hbm, lin_hbm, out_hbm,
             cn_v, fps_v, lin_v, k0, i0, k1, i1, hist, hist2,
             tk, ti, outb, shared):
    s = lax.axis_index("s")
    item = s
    r = item >> 1
    h = item & 1
    active = s < 16
    lane = lax.broadcasted_iota(jnp.int32, (L,), 0)

    @pl.when(active)
    def _load_and_sort():
        pltpu.sync_copy(cn_hbm.at[pl.ds(r * N + h * HALF, HALF)], cn_v)
        pltpu.sync_copy(fps_hbm.at[pl.ds(r * N + h * HALF, HALF)], fps_v)
        pltpu.sync_copy(lin_hbm, lin_v)

        is_a = (jnp.zeros((L,), jnp.int32) + h) == 0
        dmask = jnp.full((L,), RADIX - 1, jnp.int32)
        vzero = jnp.zeros((L,), jnp.int32)

        for z in range(RADIX // L):
            hist[pl.ds(z * L, L)] = vzero

        @pl.loop(0, NVEC, unroll=4)
        def _build(m):
            f = fps_v[pl.ds(m * L, L)]
            sc = plsc.load_gather(lin_v, [f])
            cv = cn_v[pl.ds(m * L, L)]
            bits = plsc.bitcast(sc * cv, jnp.int32)
            key = jnp.where(is_a, ONE_BITS - bits, bits)
            k0[pl.ds(m * L, L)] = key
            d = key & dmask
            cnt, lastm = plsc.scan_count(d)
            plsc.addupdate_scatter(hist, [d], cnt, mask=lastm)

        for p in range(NPASS):
            kin, iin, kout, iout = (k0, i0, k1, i1) if p % 2 == 0 else (k1, i1, k0, i0)
            ha, hb = (hist, hist2) if p % 2 == 0 else (hist2, hist)
            shift = jnp.full((L,), p * RADIX_BITS, jnp.int32)
            shift2 = jnp.full((L,), min((p + 1) * RADIX_BITS, 31), jnp.int32)
            has_next = p + 1 < NPASS

            @pl.loop(0, RADIX // L, init_carry=jnp.int32(-1))
            def _scan(z, base):
                row = ha[pl.ds(z * L, L)]
                cs = plsc.cumsum(row)
                ha[pl.ds(z * L, L)] = (cs - row) + base
                if has_next:
                    hb[pl.ds(z * L, L)] = vzero
                return base + jnp.sum(row)

            @pl.loop(0, NVEC, unroll=4)
            def _sweep(m):
                k = kin[pl.ds(m * L, L)]
                iv = (lane + m * L) if p == 0 else iin[pl.ds(m * L, L)]
                d = lax.shift_right_logical(k, shift) & dmask
                cnt, lastm = plsc.scan_count(d)
                pos = plsc.load_gather(ha, [d]) + cnt
                plsc.store_scatter(kout, [pos], k)
                plsc.store_scatter(iout, [pos], iv)
                plsc.store_scatter(ha, [d], pos, mask=lastm)
                if has_next:
                    d2 = lax.shift_right_logical(k, shift2) & dmask
                    cnt2, lastm2 = plsc.scan_count(d2)
                    plsc.addupdate_scatter(hb, [d2], cnt2, mask=lastm2)

        @pl.when(h == 1)
        def _publish():
            pltpu.sync_copy(k1.at[pl.ds(TAIL0, TAILN)],
                            shared.at[pl.ds(r * 1024, TAILN)])
            pltpu.sync_copy(i1.at[pl.ds(TAIL0, TAILN)],
                            shared.at[pl.ds(r * 1024 + 256, TAILN)])

    plsc.subcore_barrier()

    @pl.when(active & (h == 0))
    def _merge_and_store():
        pltpu.sync_copy(shared.at[pl.ds(r * 1024, TAILN)], tk)
        pltpu.sync_copy(shared.at[pl.ds(r * 1024 + 256, TAILN)], ti)

        one_bits = jnp.full((L,), ONE_BITS, jnp.int32)

        @pl.loop(0, TAILN // L)
        def _tail(t):
            off = TAIL0 + t * L
            ka = k1[pl.ds(off, L)]
            ia = i1[pl.ds(off, L)]
            kb = tk[pl.ds(t * L, L)]
            ib = ti[pl.ds(t * L, L)]
            keep_b = ((lane + off) >= CUT) & (kb > (one_bits - ka))
            outb[pl.ds(t * L, L)] = jnp.where(keep_b, ib + HALF, ia)

        pltpu.sync_copy(i1.at[pl.ds(0, TAIL0)], out_hbm.at[pl.ds(r * HALF, TAIL0)])
        pltpu.sync_copy(outb, out_hbm.at[pl.ds(r * HALF + TAIL0, TAILN)])


@jax.jit
def kernel(x, curv, fps_idxs):
    del x
    curv_n = curv - curv.min(axis=1)[..., None]
    curv_n = curv_n / curv_n.max(axis=1)[..., None]
    lin = jnp.linspace(1.0, 0.0, N, dtype=jnp.float32)

    mesh = plsc.VectorSubcoreMesh(core_axis_name="c", subcore_axis_name="s",
                                  num_cores=1)
    cp = pltpu.CompilerParams()
    if "needs_layout_passes" in pltpu.CompilerParams.__dataclass_fields__:
        cp = dataclasses.replace(cp, needs_layout_passes=False)
    run = pl.kernel(
        _sc_body,
        compiler_params=cp,
        out_type=jax.ShapeDtypeStruct((B * HALF,), jnp.int32),
        mesh=mesh,
        scratch_types=[
            pltpu.VMEM((HALF,), jnp.float32),
            pltpu.VMEM((HALF,), jnp.int32),
            pltpu.VMEM((N,), jnp.float32),
            pltpu.VMEM((HALF,), jnp.int32),
            pltpu.VMEM((HALF,), jnp.int32),
            pltpu.VMEM((HALF,), jnp.int32),
            pltpu.VMEM((HALF,), jnp.int32),
            pltpu.VMEM((RADIX,), jnp.int32),
            pltpu.VMEM((RADIX,), jnp.int32),
            pltpu.VMEM((TAILN,), jnp.int32),
            pltpu.VMEM((TAILN,), jnp.int32),
            pltpu.VMEM((TAILN,), jnp.int32),
            pltpu.VMEM_SHARED((B * 1024,), jnp.int32),
        ],
    )
    out = run(curv_n.reshape(B * N), fps_idxs.astype(jnp.int32).reshape(B * N), lin)
    return out.reshape(B, NUM_TO_SAMPLE)

# --- scband reference (transcript-rebuilt; emitter-appended) ---
"""Pipeline reference for scband-sample-layer-84507776516247 (READ-ONLY COPY).

The authoritative reference and input builder live on the scoring server;
editing this copy changes nothing except your own understanding.
"""

import jax, jax.numpy as jnp
import numpy as np

B = 8
N = 4096
NUM_TO_SAMPLE = 2048
K = 10
EXCHANGE_PERCENT = 0.1


def knn(x, k):
    # x: [B, 3, N]
    inner = -2.0 * jnp.matmul(jnp.swapaxes(x, 2, 1), x)
    xx = jnp.sum(x ** 2, axis=1, keepdims=True)
    pairwise = -xx - inner - jnp.swapaxes(xx, 2, 1)
    _, idx = jax.lax.top_k(pairwise, k)
    return idx


def get_edge_features(x, idx):
    # x: [B, C, 1, N], idx: [B, N, k]
    b, n, k = idx.shape
    idx_base = jnp.arange(b).reshape(-1, 1, 1) * n
    flat_idx = (idx + idx_base).reshape(-1)
    xs = x.squeeze(2)  # [B, C, N]
    c = xs.shape[1]
    xt = jnp.swapaxes(xs, 2, 1).reshape(b * n, -1)
    feature = jnp.take(xt, flat_idx, axis=0)
    feature = feature.reshape(b, n, k, c).transpose(0, 3, 2, 1)
    return feature


def _scores_curvs(x, curv, fps_idxs):
    # knn edge features (computed in original forward; result unused downstream)
    idxs_knn = knn(jnp.swapaxes(x, 1, 2), K)
    xn = get_edge_features(jnp.transpose(x, (0, 2, 1))[:, :, None, :], idxs_knn)
    xn = jnp.transpose(xn, (0, 3, 2, 1))
    curv_feat = jnp.abs((curv - curv.mean(axis=1)[..., None]) / curv.sum(axis=1)[..., None])
    curv_n = curv - curv.min(axis=1)[..., None]
    curv_n = curv_n / curv_n.max(axis=1)[..., None]
    curv_feat = jnp.take_along_axis(curv_feat, fps_idxs, axis=-1)
    scores = jnp.tile(jnp.linspace(1.0, 0.0, N, dtype=jnp.float32)[None, :], (B, 1))
    scores = jnp.take_along_axis(scores, fps_idxs, axis=-1)
    return scores * curv_n


def _select(scores_curvs):
    scores_curvs_a = scores_curvs[..., :NUM_TO_SAMPLE]
    scores_curvs_b = scores_curvs[..., NUM_TO_SAMPLE:]
    exchange_points = int(EXCHANGE_PERCENT * NUM_TO_SAMPLE)
    ba_vals, ba_idx = jax.lax.top_k(scores_curvs_a, NUM_TO_SAMPLE)
    tb_vals, tb_idx = jax.lax.top_k(-scores_curvs_b, scores_curvs_b.shape[-1])
    top_b_vals = -1.0 * tb_vals[..., -NUM_TO_SAMPLE:]
    top_b_indices = tb_idx[..., -NUM_TO_SAMPLE:] + NUM_TO_SAMPLE
    min_size = min(top_b_vals.shape[-1], ba_vals.shape[-1])
    bottom_a_vals = ba_vals[..., -min_size:]
    mask = top_b_vals > bottom_a_vals
    good_a = jnp.where(~mask, ba_idx[..., -min_size:], -jnp.ones_like(ba_idx[..., -min_size:]))
    good_a = jnp.concatenate([ba_idx[..., : ba_idx.shape[-1] - min_size], good_a], axis=-1)
    good_b = jnp.where(mask, top_b_indices, -jnp.ones_like(top_b_indices))
    final_indices = jnp.concatenate(
        [good_a[..., : good_a.shape[-1] - exchange_points], good_b[..., -exchange_points:]], axis=-1
    )
    final_indices = jnp.where(final_indices != -1, final_indices, ba_idx)
    return final_indices


def setup_inputs(seed: int = 0):
    key = jax.random.key(seed)
    k1, k2, k3 = jax.random.split(key, 3)
    x = jax.random.normal(k1, (B, N, 3), dtype=jnp.float32)
    curv = jax.random.uniform(k2, (B, N), dtype=jnp.float32)
    # stand-in for tp.furthest_point_sample(x, ...) full FPS ordering (external CUDA op)
    fps_idxs = jax.random.randint(k3, (B, N), 0, N, dtype=jnp.int32)
    return {"x": x, "curv": curv, "fps_idxs": fps_idxs}


def reference(x, curv, fps_idxs):
    scores_curvs = _scores_curvs(x, curv, fps_idxs)
    return _select(scores_curvs)

if __name__ == "__main__":
    import jax
    _d = setup_inputs()
    print(jax.jit(kernel)(*tuple(_d.values())))

</pallas_src>

<mosaic_0001>
#map = affine_map<(d0, d1) -> (0)>
module attributes {stable_mosaic.version = 14 : i64} {
  func.func @_sc_body(%arg0: i32, %arg1: i32, %arg2: memref<32768xf32, #tpu.memory_space<hbm>>, %arg3: memref<32768xi32, #tpu.memory_space<hbm>>, %arg4: memref<4096xf32, #tpu.memory_space<hbm>>, %arg5: memref<16384xi32, #tpu.memory_space<hbm>>, %arg6: memref<2048xf32, #tpu.memory_space<vmem>>, %arg7: memref<2048xi32, #tpu.memory_space<vmem>>, %arg8: memref<4096xf32, #tpu.memory_space<vmem>>, %arg9: memref<2048xi32, #tpu.memory_space<vmem>>, %arg10: memref<2048xi32, #tpu.memory_space<vmem>>, %arg11: memref<2048xi32, #tpu.memory_space<vmem>>, %arg12: memref<2048xi32, #tpu.memory_space<vmem>>, %arg13: memref<1024xi32, #tpu.memory_space<vmem>>, %arg14: memref<1024xi32, #tpu.memory_space<vmem>>, %arg15: memref<208xi32, #tpu.memory_space<vmem>>, %arg16: memref<208xi32, #tpu.memory_space<vmem>>, %arg17: memref<208xi32, #tpu.memory_space<vmem>>, %arg18: memref<8192xi32, #tpu.memory_space<vmem_shared>>) attributes {dimension_semantics = [#tpu.dimension_semantics<core_parallel>, #tpu.dimension_semantics<subcore_parallel>], iteration_bounds = array<i64: 1, 16>, scalar_prefetch = 0 : i64, scratch_operands = 13 : i64, tpu.core_type = #tpu.core_type<sc_vector_subcore>, window_params = [{transform_indices = #map}, {transform_indices = #map}, {transform_indices = #map}, {transform_indices = #map}]} {
    %shift_right_arithmetic3A = arith.constant 1 : i32
    %shift_right_arithmetic3A_0 = arith.shrsi %arg1, %shift_right_arithmetic3A : i32
    %and3A = arith.constant 1 : i32
    %and3A_1 = arith.andi %arg1, %and3A : i32
    %lt3A = arith.constant 16 : i32
    %lt3A_2 = arith.cmpi slt, %arg1, %lt3A : i32
    %iota3A = tpu.iota {dimensions = array<i32: 0>} : vector<16xi32>
    %convert_element_type3A = arith.extui %lt3A_2 : i1 to i32
    %cond3A = arith.constant 0 : i32
    %cond3A_3 = arith.cmpi ne, %convert_element_type3A, %cond3A : i32
    scf.if %cond3A_3 {
      %mul3A = arith.constant 4096 : i32
      %mul3A_9 = arith.muli %shift_right_arithmetic3A_0, %mul3A : i32
      %mul3A_10 = arith.constant 2048 : i32
      %mul3A_11 = arith.muli %and3A_1, %mul3A_10 : i32
      %add3A = arith.addi %mul3A_9, %mul3A_11 : i32
      "tpu.region"() ({
        %run_scoped3A = tpu.sem_alloc : memref<!tpu.dma_semaphore, #tpu.memory_space<semaphore_mem>>
        %dma_start3A = tpu.memref_slice %arg2[%add3A] : memref<32768xf32, #tpu.memory_space<hbm>> -> memref<2048xf32, #tpu.memory_space<hbm>>
        %dma_start3A_211 = tpu.memref_slice %arg2[%add3A] : memref<32768xf32, #tpu.memory_space<hbm>> -> memref<2048xf32, #tpu.memory_space<hbm>>
        tpu.enqueue_dma source(%dma_start3A_211 : memref<2048xf32, #tpu.memory_space<hbm>>) target(%arg6 : memref<2048xf32, #tpu.memory_space<vmem>>) target_semaphore(%run_scoped3A : memref<!tpu.dma_semaphore, #tpu.memory_space<semaphore_mem>>)
        %dma_wait3A = tpu.memref_slice %arg2[%add3A] : memref<32768xf32, #tpu.memory_space<hbm>> -> memref<2048xf32, #tpu.memory_space<hbm>>
        %dma_wait3A_212 = tpu.memref_slice %arg2[%add3A] : memref<32768xf32, #tpu.memory_space<hbm>> -> memref<2048xf32, #tpu.memory_space<hbm>>
        tpu.wait_dma2 semaphore(%run_scoped3A : memref<!tpu.dma_semaphore, #tpu.memory_space<semaphore_mem>>) src(%dma_wait3A_212 : memref<2048xf32, #tpu.memory_space<hbm>>) dst(%arg6 : memref<2048xf32, #tpu.memory_space<vmem>>)
        tpu.yield
      }) : () -> ()
      %mul3A_12 = arith.constant 4096 : i32
      %mul3A_13 = arith.muli %shift_right_arithmetic3A_0, %mul3A_12 : i32
      %mul3A_14 = arith.constant 2048 : i32
      %mul3A_15 = arith.muli %and3A_1, %mul3A_14 : i32
      %add3A_16 = arith.addi %mul3A_13, %mul3A_15 : i32
      "tpu.region"() ({
        %run_scoped3A = tpu.sem_alloc : memref<!tpu.dma_semaphore, #tpu.memory_space<semaphore_mem>>
        %dma_start3A = tpu.memref_slice %arg3[%add3A_16] : memref<32768xi32, #tpu.memory_space<hbm>> -> memref<2048xi32, #tpu.memory_space<hbm>>
        %dma_start3A_211 = tpu.memref_slice %arg3[%add3A_16] : memref<32768xi32, #tpu.memory_space<hbm>> -> memref<2048xi32, #tpu.memory_space<hbm>>
        tpu.enqueue_dma source(%dma_start3A_211 : memref<2048xi32, #tpu.memory_space<hbm>>) target(%arg7 : memref<2048xi32, #tpu.memory_space<vmem>>) target_semaphore(%run_scoped3A : memref<!tpu.dma_semaphore, #tpu.memory_space<semaphore_mem>>)
        %dma_wait3A = tpu.memref_slice %arg3[%add3A_16] : memref<32768xi32, #tpu.memory_space<hbm>> -> memref<2048xi32, #tpu.memory_space<hbm>>
        %dma_wait3A_212 = tpu.memref_slice %arg3[%add3A_16] : memref<32768xi32, #tpu.memory_space<hbm>> -> memref<2048xi32, #tpu.memory_space<hbm>>
        tpu.wait_dma2 semaphore(%run_scoped3A : memref<!tpu.dma_semaphore, #tpu.memory_space<semaphore_mem>>) src(%dma_wait3A_212 : memref<2048xi32, #tpu.memory_space<hbm>>) dst(%arg7 : memref<2048xi32, #tpu.memory_space<vmem>>)
        tpu.yield
      }) : () -> ()
      "tpu.region"() ({
        %run_scoped3A = tpu.sem_alloc : memref<!tpu.dma_semaphore, #tpu.memory_space<semaphore_mem>>
        tpu.enqueue_dma source(%arg4 : memref<4096xf32, #tpu.memory_space<hbm>>) target(%arg8 : memref<4096xf32, #tpu.memory_space<vmem>>) target_semaphore(%run_scoped3A : memref<!tpu.dma_semaphore, #tpu.memory_space<semaphore_mem>>)
        tpu.wait_dma2 semaphore(%run_scoped3A : memref<!tpu.dma_semaphore, #tpu.memory_space<semaphore_mem>>) src(%arg4 : memref<4096xf32, #tpu.memory_space<hbm>>) dst(%arg8 : memref<4096xf32, #tpu.memory_space<vmem>>)
        tpu.yield
      }) : () -> ()
      %broadcast_in_dim3A = arith.constant 0 : i32
      %broadcast_in_dim3A_17 = vector.broadcast %broadcast_in_dim3A : i32 to vector<16xi32>
      %add3A_18 = vector.broadcast %and3A_1 : i32 to vector<16xi32>
      %add3A_19 = arith.addi %broadcast_in_dim3A_17, %add3A_18 : vector<16xi32>
      %eq3A_20 = arith.constant 0 : i32
      %eq3A_21 = vector.broadcast %eq3A_20 : i32 to vector<16xi32>
      %eq3A_22 = arith.cmpi eq, %add3A_19, %eq3A_21 : vector<16xi32>
      %broadcast_in_dim3A_23 = arith.constant 1023 : i32
      %broadcast_in_dim3A_24 = vector.broadcast %broadcast_in_dim3A_23 : i32 to vector<16xi32>
      %broadcast_in_dim3A_25 = arith.constant 0 : i32
      %broadcast_in_dim3A_26 = vector.broadcast %broadcast_in_dim3A_25 : i32 to vector<16xi32>
      %swap3A = arith.constant 0 : index
      %swap3A_27 = tpu.vector_load %arg13[%swap3A] {strides = array<i32>} : memref<1024xi32, #tpu.memory_space<vmem>>, vector<16xi32>,
      tpu.vector_store %arg13[%swap3A], %broadcast_in_dim3A_26 {strides = array<i32>} : memref<1024xi32, #tpu.memory_space<vmem>>, vector<16xi32>,
      %swap3A_28 = arith.constant 16 : index
      %swap3A_29 = tpu.vector_load %arg13[%swap3A_28] {strides = array<i32>} : memref<1024xi32, #tpu.memory_space<vmem>>, vector<16xi32>,
      tpu.vector_store %arg13[%swap3A_28], %broadcast_in_dim3A_26 {strides = array<i32>} : memref<1024xi32, #tpu.memory_space<vmem>>, vector<16xi32>,
      %swap3A_30 = arith.constant 32 : index
      %swap3A_31 = tpu.vector_load %arg13[%swap3A_30] {strides = array<i32>} : memref<1024xi32, #tpu.memory_space<vmem>>, vector<16xi32>,
      tpu.vector_store %arg13[%swap3A_30], %broadcast_in_dim3A_26 {strides = array<i32>} : memref<1024xi32, #tpu.memory_space<vmem>>, vector<16xi32>,
      %swap3A_32 = arith.constant 48 : index
      %swap3A_33 = tpu.vector_load %arg13[%swap3A_32] {strides = array<i32>} : memref<1024xi32, #tpu.memory_space<vmem>>, vector<16xi32>,
      tpu.vector_store %arg13[%swap3A_32], %broadcast_in_dim3A_26 {strides = array<i32>} : memref<1024xi32, #tpu.memory_space<vmem>>, vector<16xi32>,
      %swap3A_34 = arith.constant 64 : index
      %swap3A_35 = tpu.vector_load %arg13[%swap3A_34] {strides = array<i32>} : memref<1024xi32, #tpu.memory_space<vmem>>, vector<16xi32>,
      tpu.vector_store %arg13[%swap3A_34], %broadcast_in_dim3A_26 {strides = array<i32>} : memref<1024xi32, #tpu.memory_space<vmem>>, vector<16xi32>,
      %swap3A_36 = arith.constant 80 : index
      %swap3A_37 = tpu.vector_load %arg13[%swap3A_36] {strides = array<i32>} : memref<1024xi32, #tpu.memory_space<vmem>>, vector<16xi32>,
      tpu.vector_store %arg13[%swap3A_36], %broadcast_in_dim3A_26 {strides = array<i32>} : memref<1024xi32, #tpu.memory_space<vmem>>, vector<16xi32>,
      %swap3A_38 = arith.constant 96 : index
      %swap3A_39 = tpu.vector_load %arg13[%swap3A_38] {strides = array<i32>} : memref<1024xi32, #tpu.memory_space<vmem>>, vector<16xi32>,
      tpu.vector_store %arg13[%swap3A_38], %broadcast_in_dim3A_26 {strides = array<i32>} : memref<1024xi32, #tpu.memory_space<vmem>>, vector<16xi32>,
      %swap3A_40 = arith.constant 112 : index
      %swap3A_41 = tpu.vector_load %arg13[%swap3A_40] {strides = array<i32>} : memref<1024xi32, #tpu.memory_space<vmem>>, vector<16xi32>,
      tpu.vector_store %arg13[%swap3A_40], %broadcast_in_dim3A_26 {strides = array<i32>} : memref<1024xi32, #tpu.memory_space<vmem>>, vector<16xi32>,
      %swap3A_42 = arith.constant 128 : index
      %swap3A_43 = tpu.vector_load %arg13[%swap3A_42] {strides = array<i32>} : memref<1024xi32, #tpu.memory_space<vmem>>, vector<16xi32>,
      tpu.vector_store %arg13[%swap3A_42], %broadcast_in_dim3A_26 {strides = array<i32>} : memref<1024xi32, #tpu.memory_space<vmem>>, vector<16xi32>,
      %swap3A_44 = arith.constant 144 : index
      %swap3A_45 = tpu.vector_load %arg13[%swap3A_44] {strides = array<i32>} : memref<1024xi32, #tpu.memory_space<vmem>>, vector<16xi32>,
      tpu.vector_store %arg13[%swap3A_44], %broadcast_in_dim3A_26 {strides = array<i32>} : memref<1024xi32, #tpu.memory_space<vmem>>, vector<16xi32>,
      %swap3A_46 = arith.constant 160 : index
      %swap3A_47 = tpu.vector_load %arg13[%swap3A_46] {strides = array<i32>} : memref<1024xi32, #tpu.memory_space<vmem>>, vector<16xi32>,
      tpu.vector_store %arg13[%swap3A_46], %broadcast_in_dim3A_26 {strides = array<i32>} : memref<1024xi32, #tpu.memory_space<vmem>>, vector<16xi32>,
      %swap3A_48 = arith.constant 176 : index
      %swap3A_49 = tpu.vector_load %arg13[%swap3A_48] {strides = array<i32>} : memref<1024xi32, #tpu.memory_space<vmem>>, vector<16xi32>,
      tpu.vector_store %arg13[%swap3A_48], %broadcast_in_dim3A_26 {strides = array<i32>} : memref<1024xi32, #tpu.memory_space<vmem>>, vector<16xi32>,
      %swap3A_50 = arith.constant 192 : index
      %swap3A_51 = tpu.vector_load %arg13[%swap3A_50] {strides = array<i32>} : memref<1024xi32, #tpu.memory_space<vmem>>, vector<16xi32>,
      tpu.vector_store %arg13[%swap3A_50], %broadcast_in_dim3A_26 {strides = array<i32>} : memref<1024xi32, #tpu.memory_space<vmem>>, vector<16xi32>,
      %swap3A_52 = arith.constant 208 : index
      %swap3A_53 = tpu.vector_load %arg13[%swap3A_52] {strides = array<i32>} : memref<1024xi32, #tpu.memory_space<vmem>>, vector<16xi32>,
      tpu.vector_store %arg13[%swap3A_52], %broadcast_in_dim3A_26 {strides = array<i32>} : memref<1024xi32, #tpu.memory_space<vmem>>, vector<16xi32>,
      %swap3A_54 = arith.constant 224 : index
      %swap3A_55 = tpu.vector_load %arg13[%swap3A_54] {strides = array<i32>} : memref<1024xi32, #tpu.memory_space<vmem>>, vector<16xi32>,
      tpu.vector_store %arg13[%swap3A_54], %broadcast_in_dim3A_26 {strides = array<i32>} : memref<1024xi32, #tpu.memory_space<vmem>>, vector<16xi32>,
      %swap3A_56 = arith.constant 240 : index
      %swap3A_57 = tpu.vector_load %arg13[%swap3A_56] {strides = array<i32>} : memref<1024xi32, #tpu.memory_space<vmem>>, vector<16xi32>,
      tpu.vector_store %arg13[%swap3A_56], %broadcast_in_dim3A_26 {strides = array<i32>} : memref<1024xi32, #tpu.memory_space<vmem>>, vector<16xi32>,
      %swap3A_58 = arith.constant 256 : index
      %swap3A_59 = tpu.vector_load %arg13[%swap3A_58] {strides = array<i32>} : memref<1024xi32, #tpu.memory_space<vmem>>, vector<16xi32>,
      tpu.vector_store %arg13[%swap3A_58], %broadcast_in_dim3A_26 {strides = array<i32>} : memref<1024xi32, #tpu.memory_space<vmem>>, vector<16xi32>,
      %swap3A_60 = arith.constant 272 : index
      %swap3A_61 = tpu.vector_load %arg13[%swap3A_60] {strides = array<i32>} : memref<1024xi32, #tpu.memory_space<vmem>>, vector<16xi32>,
      tpu.vector_store %arg13[%swap3A_60], %broadcast_in_dim3A_26 {strides = array<i32>} : memref<1024xi32, #tpu.memory_space<vmem>>, vector<16xi32>,
      %swap3A_62 = arith.constant 288 : index
      %swap3A_63 = tpu.vector_load %arg13[%swap3A_62] {strides = array<i32>} : memref<1024xi32, #tpu.memory_space<vmem>>, vector<16xi32>,
      tpu.vector_store %arg13[%swap3A_62], %broadcast_in_dim3A_26 {strides = array<i32>} : memref<1024xi32, #tpu.memory_space<vmem>>, vector<16xi32>,
      %swap3A_64 = arith.constant 304 : index
      %swap3A_65 = tpu.vector_load %arg13[%swap3A_64] {strides = array<i32>} : memref<1024xi32, #tpu.memory_space<vmem>>, vector<16xi32>,
      tpu.vector_store %arg13[%swap3A_64], %broadcast_in_dim3A_26 {strides = array<i32>} : memref<1024xi32, #tpu.memory_space<vmem>>, vector<16xi32>,
      %swap3A_66 = arith.constant 320 : index
      %swap3A_67 = tpu.vector_load %arg13[%swap3A_66] {strides = array<i32>} : memref<1024xi32, #tpu.memory_space<vmem>>, vector<16xi32>,
      tpu.vector_store %arg13[%swap3A_66], %broadcast_in_dim3A_26 {strides = array<i32>} : memref<1024xi32, #tpu.memory_space<vmem>>, vector<16xi32>,
      %swap3A_68 = arith.constant 336 : index
      %swap3A_69 = tpu.vector_load %arg13[%swap3A_68] {strides = array<i32>} : memref<1024xi32, #tpu.memory_space<vmem>>, vector<16xi32>,
      tpu.vector_store %arg13[%swap3A_68], %broadcast_in_dim3A_26 {strides = array<i32>} : memref<1024xi32, #tpu.memory_space<vmem>>, vector<16xi32>,
      %swap3A_70 = arith.constant 352 : index
      %swap3A_71 = tpu.vector_load %arg13[%swap3A_70] {strides = array<i32>} : memref<1024xi32, #tpu.memory_space<vmem>>, vector<16xi32>,
      tpu.vector_store %arg13[%swap3A_70], %broadcast_in_dim3A_26 {strides = array<i32>} : memref<1024xi32, #tpu.memory_space<vmem>>, vector<16xi32>,
      %swap3A_72 = arith.constant 368 : index
      %swap3A_73 = tpu.vector_load %arg13[%swap3A_72] {strides = array<i32>} : memref<1024xi32, #tpu.memory_space<vmem>>, vector<16xi32>,
      tpu.vector_store %arg13[%swap3A_72], %broadcast_in_dim3A_26 {strides = array<i32>} : memref<1024xi32, #tpu.memory_space<vmem>>, vector<16xi32>,
      %swap3A_74 = arith.constant 384 : index
      %swap3A_75 = tpu.vector_load %arg13[%swap3A_74] {strides = array<i32>} : memref<1024xi32, #tpu.memory_space<vmem>>, vector<16xi32>,
      tpu.vector_store %arg13[%swap3A_74], %broadcast_in_dim3A_26 {strides = array<i32>} : memref<1024xi32, #tpu.memory_space<vmem>>, vector<16xi32>,
      %swap3A_76 = arith.constant 400 : index
      %swap3A_77 = tpu.vector_load %arg13[%swap3A_76] {strides = array<i32>} : memref<1024xi32, #tpu.memory_space<vmem>>, vector<16xi32>,
      tpu.vector_store %arg13[%swap3A_76], %broadcast_in_dim3A_26 {strides = array<i32>} : memref<1024xi32, #tpu.memory_space<vmem>>, vector<16xi32>,
      %swap3A_78 = arith.constant 416 : index
      %swap3A_79 = tpu.vector_load %arg13[%swap3A_78] {strides = array<i32>} : memref<1024xi32, #tpu.memory_space<vmem>>, vector<16xi32>,
      tpu.vector_store %arg13[%swap3A_78], %broadcast_in_dim3A_26 {strides = array<i32>} : memref<1024xi32, #tpu.memory_space<vmem>>, vector<16xi32>,
      %swap3A_80 = arith.constant 432 : index
      %swap3A_81 = tpu.vector_load %arg13[%swap3A_80] {strides = array<i32>} : memref<1024xi32, #tpu.memory_space<vmem>>, vector<16xi32>,
      tpu.vector_store %arg13[%swap3A_80], %broadcast_in_dim3A_26 {strides = array<i32>} : memref<1024xi32, #tpu.memory_space<vmem>>, vector<16xi32>,
      %swap3A_82 = arith.constant 448 : index
      %swap3A_83 = tpu.vector_load %arg13[%swap3A_82] {strides = array<i32>} : memref<1024xi32, #tpu.memory_space<vmem>>, vector<16xi32>,
      tpu.vector_store %arg13[%swap3A_82], %broadcast_in_dim3A_26 {strides = array<i32>} : memref<1024xi32, #tpu.memory_space<vmem>>, vector<16xi32>,
      %swap3A_84 = arith.constant 464 : index
      %swap3A_85 = tpu.vector_load %arg13[%swap3A_84] {strides = array<i32>} : memref<1024xi32, #tpu.memory_space<vmem>>, vector<16xi32>,
      tpu.vector_store %arg13[%swap3A_84], %broadcast_in_dim3A_26 {strides = array<i32>} : memref<1024xi32, #tpu.memory_space<vmem>>, vector<16xi32>,
      %swap3A_86 = arith.constant 480 : index
      %swap3A_87 = tpu.vector_load %arg13[%swap3A_86] {strides = array<i32>} : memref<1024xi32, #tpu.memory_space<vmem>>, vector<16xi32>,
      tpu.vector_store %arg13[%swap3A_86], %broadcast_in_dim3A_26 {strides = array<i32>} : memref<1024xi32, #tpu.memory_space<vmem>>, vector<16xi32>,
      %swap3A_88 = arith.constant 496 : index
      %swap3A_89 = tpu.vector_load %arg13[%swap3A_88] {strides = array<i32>} : memref<1024xi32, #tpu.memory_space<vmem>>, vector<16xi32>,
      tpu.vector_store %arg13[%swap3A_88], %broadcast_in_dim3A_26 {strides = array<i32>} : memref<1024xi32, #tpu.memory_space<vmem>>, vector<16xi32>,
      %swap3A_90 = arith.constant 512 : index
      %swap3A_91 = tpu.vector_load %arg13[%swap3A_90] {strides = array<i32>} : memref<1024xi32, #tpu.memory_space<vmem>>, vector<16xi32>,
      tpu.vector_store %arg13[%swap3A_90], %broadcast_in_dim3A_26 {strides = array<i32>} : memref<1024xi32, #tpu.memory_space<vmem>>, vector<16xi32>,
      %swap3A_92 = arith.constant 528 : index
      %swap3A_93 = tpu.vector_load %arg13[%swap3A_92] {strides = array<i32>} : memref<1024xi32, #tpu.memory_space<vmem>>, vector<16xi32>,
      tpu.vector_store %arg13[%swap3A_92], %broadcast_in_dim3A_26 {strides = array<i32>} : memref<1024xi32, #tpu.memory_space<vmem>>, vector<16xi32>,
      %swap3A_94 = arith.constant 544 : index
      %swap3A_95 = tpu.vector_load %arg13[%swap3A_94] {strides = array<i32>} : memref<1024xi32, #tpu.memory_space<vmem>>, vector<16xi32>,
      tpu.vector_store %arg13[%swap3A_94], %broadcast_in_dim3A_26 {strides = array<i32>} : memref<1024xi32, #tpu.memory_space<vmem>>, vector<16xi32>,
      %swap3A_96 = arith.constant 560 : index
      %swap3A_97 = tpu.vector_load %arg13[%swap3A_96] {strides = array<i32>} : memref<1024xi32, #tpu.memory_space<vmem>>, vector<16xi32>,
      tpu.vector_store %arg13[%swap3A_96], %broadcast_in_dim3A_26 {strides = array<i32>} : memref<1024xi32, #tpu.memory_space<vmem>>, vector<16xi32>,
      %swap3A_98 = arith.constant 576 : index
      %swap3A_99 = tpu.vector_load %arg13[%swap3A_98] {strides = array<i32>} : memref<1024xi32, #tpu.memory_space<vmem>>, vector<16xi32>,
      tpu.vector_store %arg13[%swap3A_98], %broadcast_in_dim3A_26 {strides = array<i32>} : memref<1024xi32, #tpu.memory_space<vmem>>, vector<16xi32>,
      %swap3A_100 = arith.constant 592 : index
      %swap3A_101 = tpu.vector_load %arg13[%swap3A_100] {strides = array<i32>} : memref<1024xi32, #tpu.memory_space<vmem>>, vector<16xi32>,
      tpu.vector_store %arg13[%swap3A_100], %broadcast_in_dim3A_26 {strides = array<i32>} : memref<1024xi32, #tpu.memory_space<vmem>>, vector<16xi32>,
      %swap3A_102 = arith.constant 608 : index
      %swap3A_103 = tpu.vector_load %arg13[%swap3A_102] {strides = array<i32>} : memref<1024xi32, #tpu.memory_space<vmem>>, vector<16xi32>,
      tpu.vector_store %arg13[%swap3A_102], %broadcast_in_dim3A_26 {strides = array<i32>} : memref<1024xi32, #tpu.memory_space<vmem>>, vector<16xi32>,
      %swap3A_104 = arith.constant 624 : index
      %swap3A_105 = tpu.vector_load %arg13[%swap3A_104] {strides = array<i32>} : memref<1024xi32, #tpu.memory_space<vmem>>, vector<16xi32>,
      tpu.vector_store %arg13[%swap3A_104], %broadcast_in_dim3A_26 {strides = array<i32>} : memref<1024xi32, #tpu.memory_space<vmem>>, vector<16xi32>,
      %swap3A_106 = arith.constant 640 : index
      %swap3A_107 = tpu.vector_load %arg13[%swap3A_106] {strides = array<i32>} : memref<1024xi32, #tpu.memory_space<vmem>>, vector<16xi32>,
      tpu.vector_store %arg13[%swap3A_106], %broadcast_in_dim3A_26 {strides = array<i32>} : memref<1024xi32, #tpu.memory_space<vmem>>, vector<16xi32>,
      %swap3A_108 = arith.constant 656 : index
      %swap3A_109 = tpu.vector_load %arg13[%swap3A_108] {strides = array<i32>} : memref<1024xi32, #tpu.memory_space<vmem>>, vector<16xi32>,
      tpu.vector_store %arg13[%swap3A_108], %broadcast_in_dim3A_26 {strides = array<i32>} : memref<1024xi32, #tpu.memory_space<vmem>>, vector<16xi32>,
      %swap3A_110 = arith.constant 672 : index
      %swap3A_111 = tpu.vector_load %arg13[%swap3A_110] {strides = array<i32>} : memref<1024xi32, #tpu.memory_space<vmem>>, vector<16xi32>,
      tpu.vector_store %arg13[%swap3A_110], %broadcast_in_dim3A_26 {strides = array<i32>} : memref<1024xi32, #tpu.memory_space<vmem>>, vector<16xi32>,
      %swap3A_112 = arith.constant 688 : index
      %swap3A_113 = tpu.vector_load %arg13[%swap3A_112] {strides = array<i32>} : memref<1024xi32, #tpu.memory_space<vmem>>, vector<16xi32>,
      tpu.vector_store %arg13[%swap3A_112], %broadcast_in_dim3A_26 {strides = array<i32>} : memref<1024xi32, #tpu.memory_space<vmem>>, vector<16xi32>,
      %swap3A_114 = arith.constant 704 : index
      %swap3A_115 = tpu.vector_load %arg13[%swap3A_114] {strides = array<i32>} : memref<1024xi32, #tpu.memory_space<vmem>>, vector<16xi32>,
      tpu.vector_store %arg13[%swap3A_114], %broadcast_in_dim3A_26 {strides = array<i32>} : memref<1024xi32, #tpu.memory_space<vmem>>, vector<16xi32>,
      %swap3A_116 = arith.constant 720 : index
      %swap3A_117 = tpu.vector_load %arg13[%swap3A_116] {strides = array<i32>} : memref<1024xi32, #tpu.memory_space<vmem>>, vector<16xi32>,
      tpu.vector_store %arg13[%swap3A_116], %broadcast_in_dim3A_26 {strides = array<i32>} : memref<1024xi32, #tpu.memory_space<vmem>>, vector<16xi32>,
      %swap3A_118 = arith.constant 736 : index
      %swap3A_119 = tpu.vector_load %arg13[%swap3A_118] {strides = array<i32>} : memref<1024xi32, #tpu.memory_space<vmem>>, vector<16xi32>,
      tpu.vector_store %arg13[%swap3A_118], %broadcast_in_dim3A_26 {strides = array<i32>} : memref<1024xi32, #tpu.memory_space<vmem>>, vector<16xi32>,
      %swap3A_120 = arith.constant 752 : index
      %swap3A_121 = tpu.vector_load %arg13[%swap3A_120] {strides = array<i32>} : memref<1024xi32, #tpu.memory_space<vmem>>, vector<16xi32>,
      tpu.vector_store %arg13[%swap3A_120], %broadcast_in_dim3A_26 {strides = array<i32>} : memref<1024xi32, #tpu.memory_space<vmem>>, vector<16xi32>,
      %swap3A_122 = arith.constant 768 : index
      %swap3A_123 = tpu.vector_load %arg13[%swap3A_122] {strides = array<i32>} : memref<1024xi32, #tpu.memory_space<vmem>>, vector<16xi32>,
      tpu.vector_store %arg13[%swap3A_122], %broadcast_in_dim3A_26 {strides = array<i32>} : memref<1024xi32, #tpu.memory_space<vmem>>, vector<16xi32>,
      %swap3A_124 = arith.constant 784 : index
      %swap3A_125 = tpu.vector_load %arg13[%swap3A_124] {strides = array<i32>} : memref<1024xi32, #tpu.memory_space<vmem>>, vector<16xi32>,
      tpu.vector_store %arg13[%swap3A_124], %broadcast_in_dim3A_26 {strides = array<i32>} : memref<1024xi32, #tpu.memory_space<vmem>>, vector<16xi32>,
      %swap3A_126 = arith.constant 800 : index
      %swap3A_127 = tpu.vector_load %arg13[%swap3A_126] {strides = array<i32>} : memref<1024xi32, #tpu.memory_space<vmem>>, vector<16xi32>,
      tpu.vector_store %arg13[%swap3A_126], %broadcast_in_dim3A_26 {strides = array<i32>} : memref<1024xi32, #tpu.memory_space<vmem>>, vector<16xi32>,
      %swap3A_128 = arith.constant 816 : index
      %swap3A_129 = tpu.vector_load %arg13[%swap3A_128] {strides = array<i32>} : memref<1024xi32, #tpu.memory_space<vmem>>, vector<16xi32>,
      tpu.vector_store %arg13[%swap3A_128], %broadcast_in_dim3A_26 {strides = array<i32>} : memref<1024xi32, #tpu.memory_space<vmem>>, vector<16xi32>,
      %swap3A_130 = arith.constant 832 : index
      %swap3A_131 = tpu.vector_load %arg13[%swap3A_130] {strides = array<i32>} : memref<1024xi32, #tpu.memory_space<vmem>>, vector<16xi32>,
      tpu.vector_store %arg13[%swap3A_130], %broadcast_in_dim3A_26 {strides = array<i32>} : memref<1024xi32, #tpu.memory_space<vmem>>, vector<16xi32>,
      %swap3A_132 = arith.constant 848 : index
      %swap3A_133 = tpu.vector_load %arg13[%swap3A_132] {strides = array<i32>} : memref<1024xi32, #tpu.memory_space<vmem>>, vector<16xi32>,
      tpu.vector_store %arg13[%swap3A_132], %broadcast_in_dim3A_26 {strides = array<i32>} : memref<1024xi32, #tpu.memory_space<vmem>>, vector<16xi32>,
      %swap3A_134 = arith.constant 864 : index
      %swap3A_135 = tpu.vector_load %arg13[%swap3A_134] {strides = array<i32>} : memref<1024xi32, #tpu.memory_space<vmem>>, vector<16xi32>,
      tpu.vector_store %arg13[%swap3A_134], %broadcast_in_dim3A_26 {strides = array<i32>} : memref<1024xi32, #tpu.memory_space<vmem>>, vector<16xi32>,
      %swap3A_136 = arith.constant 880 : index
      %swap3A_137 = tpu.vector_load %arg13[%swap3A_136] {strides = array<i32>} : memref<1024xi32, #tpu.memory_space<vmem>>, vector<16xi32>,
      tpu.vector_store %arg13[%swap3A_136], %broadcast_in_dim3A_26 {strides = array<i32>} : memref<1024xi32, #tpu.memory_space<vmem>>, vector<16xi32>,
      %swap3A_138 = arith.constant 896 : index
      %swap3A_139 = tpu.vector_load %arg13[%swap3A_138] {strides = array<i32>} : memref<1024xi32, #tpu.memory_space<vmem>>, vector<16xi32>,
      tpu.vector_store %arg13[%swap3A_138], %broadcast_in_dim3A_26 {strides = array<i32>} : memref<1024xi32, #tpu.memory_space<vmem>>, vector<16xi32>,
      %swap3A_140 = arith.constant 912 : index
      %swap3A_141 = tpu.vector_load %arg13[%swap3A_140] {strides = array<i32>} : memref<1024xi32, #tpu.memory_space<vmem>>, vector<16xi32>,
      tpu.vector_store %arg13[%swap3A_140], %broadcast_in_dim3A_26 {strides = array<i32>} : memref<1024xi32, #tpu.memory_space<vmem>>, vector<16xi32>,
      %swap3A_142 = arith.constant 928 : index
      %swap3A_143 = tpu.vector_load %arg13[%swap3A_142] {strides = array<i32>} : memref<1024xi32, #tpu.memory_space<vmem>>, vector<16xi32>,
      tpu.vector_store %arg13[%swap3A_142], %broadcast_in_dim3A_26 {strides = array<i32>} : memref<1024xi32, #tpu.memory_space<vmem>>, vector<16xi32>,
      %swap3A_144 = arith.constant 944 : index
      %swap3A_145 = tpu.vector_load %arg13[%swap3A_144] {strides = array<i32>} : memref<1024xi32, #tpu.memory_space<vmem>>, vector<16xi32>,
      tpu.vector_store %arg13[%swap3A_144], %broadcast_in_dim3A_26 {strides = array<i32>} : memref<1024xi32, #tpu.memory_space<vmem>>, vector<16xi32>,
      %swap3A_146 = arith.constant 960 : index
      %swap3A_147 = tpu.vector_load %arg13[%swap3A_146] {strides = array<i32>} : memref<1024xi32, #tpu.memory_space<vmem>>, vector<16xi32>,
      tpu.vector_store %arg13[%swap3A_146], %broadcast_in_dim3A_26 {strides = array<i32>} : memref<1024xi32, #tpu.memory_space<vmem>>, vector<16xi32>,
      %swap3A_148 = arith.constant 976 : index
      %swap3A_149 = tpu.vector_load %arg13[%swap3A_148] {strides = array<i32>} : memref<1024xi32, #tpu.memory_space<vmem>>, vector<16xi32>,
      tpu.vector_store %arg13[%swap3A_148], %broadcast_in_dim3A_26 {strides = array<i32>} : memref<1024xi32, #tpu.memory_space<vmem>>, vector<16xi32>,
      %swap3A_150 = arith.constant 992 : index
      %swap3A_151 = tpu.vector_load %arg13[%swap3A_150] {strides = array<i32>} : memref<1024xi32, #tpu.memory_space<vmem>>, vector<16xi32>,
      tpu.vector_store %arg13[%swap3A_150], %broadcast_in_dim3A_26 {strides = array<i32>} : memref<1024xi32, #tpu.memory_space<vmem>>, vector<16xi32>,
      %swap3A_152 = arith.constant 1008 : index
      %swap3A_153 = tpu.vector_load %arg13[%swap3A_152] {strides = array<i32>} : memref<1024xi32, #tpu.memory_space<vmem>>, vector<16xi32>,
      tpu.vector_store %arg13[%swap3A_152], %broadcast_in_dim3A_26 {strides = array<i32>} : memref<1024xi32, #tpu.memory_space<vmem>>, vector<16xi32>,
      %scan3A = arith.constant 0 : i32
      %scan3A_154 = arith.constant 128 : i32
      %scan3A_155 = arith.addi %scan3A, %scan3A_154 : i32
      %scan3A_156 = arith.constant 4 : i32
      scf.for %scan3A_211 = %scan3A to %scan3A_155 step %scan3A_156  : i32 {
        %mul3A_212 = arith.constant 1 : i32
        %mul3A_213 = arith.muli %scan3A_211, %mul3A_212 : i32
        %add3A_214 = arith.constant 0 : i32
        %add3A_215 = arith.addi %add3A_214, %mul3A_213 : i32
        %mul3A_216 = arith.constant 16 : i32
        %mul3A_217 = arith.muli %add3A_215, %mul3A_216 : i32
        %get3A = arith.index_cast %mul3A_217 : i32 to index
        %get3A_218 = tpu.vector_load %arg7[%get3A] {strides = array<i32>} : memref<2048xi32, #tpu.memory_space<vmem>>, vector<16xi32>,
        %gather3A = tpu.vector_load_idx %arg8[%get3A_218] : memref<4096xf32, #tpu.memory_space<vmem>>[vector<16xi32>], vector<16xf32>,
        %mul3A_219 = arith.constant 16 : i32
        %mul3A_220 = arith.muli %add3A_215, %mul3A_219 : i32
        %get3A_221 = arith.index_cast %mul3A_220 : i32 to index
        %get3A_222 = tpu.vector_load %arg6[%get3A_221] {strides = array<i32>} : memref<2048xf32, #tpu.memory_space<vmem>>, vector<16xf32>,
        %mul3A_223 = arith.mulf %gather3A, %get3A_222 : vector<16xf32>
        %bitcast3A = vector.bitcast %mul3A_223 : vector<16xf32> to vector<16xi32>
        %sub3A = arith.constant 1065353216 : i32
        %sub3A_224 = vector.broadcast %sub3A : i32 to vector<16xi32>
        %sub3A_225 = arith.subi %sub3A_224, %bitcast3A : vector<16xi32>
        %select_n3A = arith.select %eq3A_22, %sub3A_225, %bitcast3A : vector<16xi1>, vector<16xi32>
        %mul3A_226 = arith.constant 16 : i32
        %mul3A_227 = arith.muli %add3A_215, %mul3A_226 : i32
        %swap3A_228 = arith.index_cast %mul3A_227 : i32 to index
        %swap3A_229 = tpu.vector_load %arg9[%swap3A_228] {strides = array<i32>} : memref<2048xi32, #tpu.memory_space<vmem>>, vector<16xi32>,
        tpu.vector_store %arg9[%swap3A_228], %select_n3A {strides = array<i32>} : memref<2048xi32, #tpu.memory_space<vmem>>, vector<16xi32>,
        %and3A_230 = arith.andi %select_n3A, %broadcast_in_dim3A_24 : vector<16xi32>
        %broadcast_in_dim3A_231 = arith.constant true
        %broadcast_in_dim3A_232 = vector.broadcast %broadcast_in_dim3A_231 : i1 to vector<16xi1>
        %unique3A, %unique3A_233 = tpu.scan_count mask(%broadcast_in_dim3A_232 : vector<16xi1>) value(%and3A_230 : vector<16xi32>) : vector<16xi1>, vector<16xi32>
        tpu.vector_store_idx %arg13[%and3A_230], %unique3A_233 masked %unique3A {add = true} : memref<1024xi32, #tpu.memory_space<vmem>>[vector<16xi32>], vector<16xi32>, vector<16xi1>
        %scan3A_234 = arith.constant 1 : i32
        %scan3A_235 = arith.addi %scan3A_211, %scan3A_234 : i32
        %mul3A_236 = arith.constant 1 : i32
        %mul3A_237 = arith.muli %scan3A_235, %mul3A_236 : i32
        %add3A_238 = arith.constant 0 : i32
        %add3A_239 = arith.addi %add3A_238, %mul3A_237 : i32
        %mul3A_240 = arith.constant 16 : i32
        %mul3A_241 = arith.muli %add3A_239, %mul3A_240 : i32
        %get3A_242 = arith.index_cast %mul3A_241 : i32 to index
        %get3A_243 = tpu.vector_load %arg7[%get3A_242] {strides = array<i32>} : memref<2048xi32, #tpu.memory_space<vmem>>, vector<16xi32>,
        %gather3A_244 = tpu.vector_load_idx %arg8[%get3A_243] : memref<4096xf32, #tpu.memory_space<vmem>>[vector<16xi32>], vector<16xf32>,
        %mul3A_245 = arith.constant 16 : i32
        %mul3A_246 = arith.muli %add3A_239, %mul3A_245 : i32
        %get3A_247 = arith.index_cast %mul3A_246 : i32 to index
        %get3A_248 = tpu.vector_load %arg6[%get3A_247] {strides = array<i32>} : memref<2048xf32, #tpu.memory_space<vmem>>, vector<16xf32>,
        %mul3A_249 = arith.mulf %gather3A_244, %get3A_248 : vector<16xf32>
        %bitcast3A_250 = vector.bitcast %mul3A_249 : vector<16xf32> to vector<16xi32>
        %sub3A_251 = arith.constant 1065353216 : i32
        %sub3A_252 = vector.broadcast %sub3A_251 : i32 to vector<16xi32>
        %sub3A_253 = arith.subi %sub3A_252, %bitcast3A_250 : vector<16xi32>
        %select_n3A_254 = arith.select %eq3A_22, %sub3A_253, %bitcast3A_250 : vector<16xi1>, vector<16xi32>
        %mul3A_255 = arith.constant 16 : i32
        %mul3A_256 = arith.muli %add3A_239, %mul3A_255 : i32
        %swap3A_257 = arith.index_cast %mul3A_256 : i32 to index
        %swap3A_258 = tpu.vector_load %arg9[%swap3A_257] {strides = array<i32>} : memref<2048xi32, #tpu.memory_space<vmem>>, vector<16xi32>,
        tpu.vector_store %arg9[%swap3A_257], %select_n3A_254 {strides = array<i32>} : memref<2048xi32, #tpu.memory_space<vmem>>, vector<16xi32>,
        %and3A_259 = arith.andi %select_n3A_254, %broadcast_in_dim3A_24 : vector<16xi32>
        %broadcast_in_dim3A_260 = arith.constant true
        %broadcast_in_dim3A_261 = vector.broadcast %broadcast_in_dim3A_260 : i1 to vector<16xi1>
        %unique3A_262, %unique3A_263 = tpu.scan_count mask(%broadcast_in_dim3A_261 : vector<16xi1>) value(%and3A_259 : vector<16xi32>) : vector<16xi1>, vector<16xi32>
        tpu.vector_store_idx %arg13[%and3A_259], %unique3A_263 masked %unique3A_262 {add = true} : memref<1024xi32, #tpu.memory_space<vmem>>[vector<16xi32>], vector<16xi32>, vector<16xi1>
        %scan3A_264 = arith.constant 2 : i32
        %scan3A_265 = arith.addi %scan3A_211, %scan3A_264 : i32
        %mul3A_266 = arith.constant 1 : i32
        %mul3A_267 = arith.muli %scan3A_265, %mul3A_266 : i32
        %add3A_268 = arith.constant 0 : i32
        %add3A_269 = arith.addi %add3A_268, %mul3A_267 : i32
        %mul3A_270 = arith.constant 16 : i32
        %mul3A_271 = arith.muli %add3A_269, %mul3A_270 : i32
        %get3A_272 = arith.index_cast %mul3A_271 : i32 to index
        %get3A_273 = tpu.vector_load %arg7[%get3A_272] {strides = array<i32>} : memref<2048xi32, #tpu.memory_space<vmem>>, vector<16xi32>,
        %gather3A_274 = tpu.vector_load_idx %arg8[%get3A_273] : memref<4096xf32, #tpu.memory_space<vmem>>[vector<16xi32>], vector<16xf32>,
        %mul3A_275 = arith.constant 16 : i32
        %mul3A_276 = arith.muli %add3A_269, %mul3A_275 : i32
        %get3A_277 = arith.index_cast %mul3A_276 : i32 to index
        %get3A_278 = tpu.vector_load %arg6[%get3A_277] {strides = array<i32>} : memref<2048xf32, #tpu.memory_space<vmem>>, vector<16xf32>,
        %mul3A_279 = arith.mulf %gather3A_274, %get3A_278 : vector<16xf32>
        %bitcast3A_280 = vector.bitcast %mul3A_279 : vector<16xf32> to vector<16xi32>
        %sub3A_281 = arith.constant 1065353216 : i32
        %sub3A_282 = vector.broadcast %sub3A_281 : i32 to vector<16xi32>
        %sub3A_283 = arith.subi %sub3A_282, %bitcast3A_280 : vector<16xi32>
        %select_n3A_284 = arith.select %eq3A_22, %sub3A_283, %bitcast3A_280 : vector<16xi1>, vector<16xi32>
        %mul3A_285 = arith.constant 16 : i32
        %mul3A_286 = arith.muli %add3A_269, %mul3A_285 : i32
        %swap3A_287 = arith.index_cast %mul3A_286 : i32 to index
        %swap3A_288 = tpu.vector_load %arg9[%swap3A_287] {strides = array<i32>} : memref<2048xi32, #tpu.memory_space<vmem>>, vector<16xi32>,
        tpu.vector_store %arg9[%swap3A_287], %select_n3A_284 {strides = array<i32>} : memref<2048xi32, #tpu.memory_space<vmem>>, vector<16xi32>,
        %and3A_289 = arith.andi %select_n3A_284, %broadcast_in_dim3A_24 : vector<16xi32>
        %broadcast_in_dim3A_290 = arith.constant true
        %broadcast_in_dim3A_291 = vector.broadcast %broadcast_in_dim3A_290 : i1 to vector<16xi1>
        %unique3A_292, %unique3A_293 = tpu.scan_count mask(%broadcast_in_dim3A_291 : vector<16xi1>) value(%and3A_289 : vector<16xi32>) : vector<16xi1>, vector<16xi32>
        tpu.vector_store_idx %arg13[%and3A_289], %unique3A_293 masked %unique3A_292 {add = true} : memref<1024xi32, #tpu.memory_space<vmem>>[vector<16xi32>], vector<16xi32>, vector<16xi1>
        %scan3A_294 = arith.constant 3 : i32
        %scan3A_295 = arith.addi %scan3A_211, %scan3A_294 : i32
        %mul3A_296 = arith.constant 1 : i32
        %mul3A_297 = arith.muli %scan3A_295, %mul3A_296 : i32
        %add3A_298 = arith.constant 0 : i32
        %add3A_299 = arith.addi %add3A_298, %mul3A_297 : i32
        %mul3A_300 = arith.constant 16 : i32
        %mul3A_301 = arith.muli %add3A_299, %mul3A_300 : i32
        %get3A_302 = arith.index_cast %mul3A_301 : i32 to index
        %get3A_303 = tpu.vector_load %arg7[%get3A_302] {strides = array<i32>} : memref<2048xi32, #tpu.memory_space<vmem>>, vector<16xi32>,
        %gather3A_304 = tpu.vector_load_idx %arg8[%get3A_303] : memref<4096xf32, #tpu.memory_space<vmem>>[vector<16xi32>], vector<16xf32>,
        %mul3A_305 = arith.constant 16 : i32
        %mul3A_306 = arith.muli %add3A_299, %mul3A_305 : i32
        %get3A_307 = arith.index_cast %mul3A_306 : i32 to index
        %get3A_308 = tpu.vector_load %arg6[%get3A_307] {strides = array<i32>} : memref<2048xf32, #tpu.memory_space<vmem>>, vector<16xf32>,
        %mul3A_309 = arith.mulf %gather3A_304, %get3A_308 : vector<16xf32>
        %bitcast3A_310 = vector.bitcast %mul3A_309 : vector<16xf32> to vector<16xi32>
        %sub3A_311 = arith.constant 1065353216 : i32
        %sub3A_312 = vector.broadcast %sub3A_311 : i32 to vector<16xi32>
        %sub3A_313 = arith.subi %sub3A_312, %bitcast3A_310 : vector<16xi32>
        %select_n3A_314 = arith.select %eq3A_22, %sub3A_313, %bitcast3A_310 : vector<16xi1>, vector<16xi32>
        %mul3A_315 = arith.constant 16 : i32
        %mul3A_316 = arith.muli %add3A_299, %mul3A_315 : i32
        %swap3A_317 = arith.index_cast %mul3A_316 : i32 to index
        %swap3A_318 = tpu.vector_load %arg9[%swap3A_317] {strides = array<i32>} : memref<2048xi32, #tpu.memory_space<vmem>>, vector<16xi32>,
        tpu.vector_store %arg9[%swap3A_317], %select_n3A_314 {strides = array<i32>} : memref<2048xi32, #tpu.memory_space<vmem>>, vector<16xi32>,
        %and3A_319 = arith.andi %select_n3A_314, %broadcast_in_dim3A_24 : vector<16xi32>
        %broadcast_in_dim3A_320 = arith.constant true
        %broadcast_in_dim3A_321 = vector.broadcast %broadcast_in_dim3A_320 : i1 to vector<16xi1>
        %unique3A_322, %unique3A_323 = tpu.scan_count mask(%broadcast_in_dim3A_321 : vector<16xi1>) value(%and3A_319 : vector<16xi32>) : vector<16xi1>, vector<16xi32>
        tpu.vector_store_idx %arg13[%and3A_319], %unique3A_323 masked %unique3A_322 {add = true} : memref<1024xi32, #tpu.memory_space<vmem>>[vector<16xi32>], vector<16xi32>, vector<16xi1>
      }
      %scan3A_157 = arith.constant 128 : i32
      %broadcast_in_dim3A_158 = arith.constant 0 : i32
      %broadcast_in_dim3A_159 = vector.broadcast %broadcast_in_dim3A_158 : i32 to vector<16xi32>
      %broadcast_in_dim3A_160 = arith.constant 10 : i32
      %broadcast_in_dim3A_161 = vector.broadcast %broadcast_in_dim3A_160 : i32 to vector<16xi32>
      %scan3A_162 = arith.constant -1 : i32
      %scan3A_163 = arith.constant 0 : i32
      %scan3A_164 = arith.constant 64 : i32
      %scan3A_165 = arith.addi %scan3A_163, %scan3A_164 : i32
      %scan3A_166 = arith.constant 1 : i32
      %scan3A_167 = scf.for %scan3A_211 = %scan3A_163 to %scan3A_165 step %scan3A_166 iter_args(%scan3A_212 = %scan3A_162) -> (i32)  : i32 {
        %mul3A_213 = arith.constant 1 : i32
        %mul3A_214 = arith.muli %scan3A_211, %mul3A_213 : i32
        %add3A_215 = arith.constant 0 : i32
        %add3A_216 = arith.addi %add3A_215, %mul3A_214 : i32
        %mul3A_217 = arith.constant 16 : i32
        %mul3A_218 = arith.muli %add3A_216, %mul3A_217 : i32
        %get3A = arith.index_cast %mul3A_218 : i32 to index
        %get3A_219 = tpu.vector_load %arg13[%get3A] {strides = array<i32>} : memref<1024xi32, #tpu.memory_space<vmem>>, vector<16xi32>,
        %broadcast_in_dim3A_220 = arith.constant true
        %broadcast_in_dim3A_221 = vector.broadcast %broadcast_in_dim3A_220 : i1 to vector<16xi1>
        %masked_cumsum3A = tpu.scan <sum>, %get3A_219 masked %broadcast_in_dim3A_221 : vector<16xi32>, vector<16xi1> -> vector<16xi32>
        %sub3A = arith.subi %masked_cumsum3A, %get3A_219 : vector<16xi32>
        %add3A_222 = vector.broadcast %scan3A_212 : i32 to vector<16xi32>
        %add3A_223 = arith.addi %sub3A, %add3A_222 : vector<16xi32>
        %mul3A_224 = arith.constant 16 : i32
        %mul3A_225 = arith.muli %add3A_216, %mul3A_224 : i32
        %swap3A_226 = arith.index_cast %mul3A_225 : i32 to index
        %swap3A_227 = tpu.vector_load %arg13[%swap3A_226] {strides = array<i32>} : memref<1024xi32, #tpu.memory_space<vmem>>, vector<16xi32>,
        tpu.vector_store %arg13[%swap3A_226], %add3A_223 {strides = array<i32>} : memref<1024xi32, #tpu.memory_space<vmem>>, vector<16xi32>,
        %mul3A_228 = arith.constant 16 : i32
        %mul3A_229 = arith.muli %add3A_216, %mul3A_228 : i32
        %swap3A_230 = arith.index_cast %mul3A_229 : i32 to index
        %swap3A_231 = tpu.vector_load %arg14[%swap3A_230] {strides = array<i32>} : memref<1024xi32, #tpu.memory_space<vmem>>, vector<16xi32>,
        tpu.vector_store %arg14[%swap3A_230], %broadcast_in_dim3A_26 {strides = array<i32>} : memref<1024xi32, #tpu.memory_space<vmem>>, vector<16xi32>,
        %reduce_sum3A = arith.constant true
        %reduce_sum3A_232 = vector.broadcast %reduce_sum3A : i1 to vector<16xi1>
        %reduce_sum3A_233 = tpu.scan <sum>, %get3A_219 masked %reduce_sum3A_232 : vector<16xi32>, vector<16xi1> -> vector<16xi32>
        %reduce_sum3A_234 = vector.extract %reduce_sum3A_233[15] : i32 from vector<16xi32>
        %add3A_235 = arith.addi %scan3A_212, %reduce_sum3A_234 : i32
        scf.yield %add3A_235 : i32
      }
      %scan3A_168 = arith.constant 64 : i32
      %scan3A_169 = arith.constant 0 : i32
      %scan3A_170 = arith.constant 128 : i32
      %scan3A_171 = arith.addi %scan3A_169, %scan3A_170 : i32
      %scan3A_172 = arith.constant 4 : i32
      scf.for %scan3A_211 = %scan3A_169 to %scan3A_171 step %scan3A_172  : i32 {
        %mul3A_212 = arith.constant 1 : i32
        %mul3A_213 = arith.muli %scan3A_211, %mul3A_212 : i32
        %add3A_214 = arith.constant 0 : i32
        %add3A_215 = arith.addi %add3A_214, %mul3A_213 : i32
        %mul3A_216 = arith.constant 16 : i32
        %mul3A_217 = arith.muli %add3A_215, %mul3A_216 : i32
        %get3A = arith.index_cast %mul3A_217 : i32 to index
        %get3A_218 = tpu.vector_load %arg9[%get3A] {strides = array<i32>} : memref<2048xi32, #tpu.memory_space<vmem>>, vector<16xi32>,
        %mul3A_219 = arith.constant 16 : i32
        %mul3A_220 = arith.muli %add3A_215, %mul3A_219 : i32
        %add3A_221 = vector.broadcast %mul3A_220 : i32 to vector<16xi32>
        %add3A_222 = arith.addi %iota3A, %add3A_221 : vector<16xi32>
        %shift_right_logical3A = arith.shrui %get3A_218, %broadcast_in_dim3A_159 : vector<16xi32>
        %and3A_223 = arith.andi %shift_right_logical3A, %broadcast_in_dim3A_24 : vector<16xi32>
        %broadcast_in_dim3A_224 = arith.constant true
        %broadcast_in_dim3A_225 = vector.broadcast %broadcast_in_dim3A_224 : i1 to vector<16xi1>
        %unique3A, %unique3A_226 = tpu.scan_count mask(%broadcast_in_dim3A_225 : vector<16xi1>) value(%and3A_223 : vector<16xi32>) : vector<16xi1>, vector<16xi32>
        %gather3A = tpu.vector_load_idx %arg13[%and3A_223] : memref<1024xi32, #tpu.memory_space<vmem>>[vector<16xi32>], vector<16xi32>,
        %add3A_227 = arith.addi %gather3A, %unique3A_226 : vector<16xi32>
        tpu.vector_store_idx %arg11[%add3A_227], %get3A_218 : memref<2048xi32, #tpu.memory_space<vmem>>[vector<16xi32>], vector<16xi32>,
        tpu.vector_store_idx %arg12[%add3A_227], %add3A_222 : memref<2048xi32, #tpu.memory_space<vmem>>[vector<16xi32>], vector<16xi32>,
        tpu.vector_store_idx %arg13[%and3A_223], %add3A_227 masked %unique3A : memref<1024xi32, #tpu.memory_space<vmem>>[vector<16xi32>], vector<16xi32>, vector<16xi1>
        %shift_right_logical3A_228 = arith.shrui %get3A_218, %broadcast_in_dim3A_161 : vector<16xi32>
        %and3A_229 = arith.andi %shift_right_logical3A_228, %broadcast_in_dim3A_24 : vector<16xi32>
        %broadcast_in_dim3A_230 = arith.constant true
        %broadcast_in_dim3A_231 = vector.broadcast %broadcast_in_dim3A_230 : i1 to vector<16xi1>
        %unique3A_232, %unique3A_233 = tpu.scan_count mask(%broadcast_in_dim3A_231 : vector<16xi1>) value(%and3A_229 : vector<16xi32>) : vector<16xi1>, vector<16xi32>
        tpu.vector_store_idx %arg14[%and3A_229], %unique3A_233 masked %unique3A_232 {add = true} : memref<1024xi32, #tpu.memory_space<vmem>>[vector<16xi32>], vector<16xi32>, vector<16xi1>
        %scan3A_234 = arith.constant 1 : i32
        %scan3A_235 = arith.addi %scan3A_211, %scan3A_234 : i32
        %mul3A_236 = arith.constant 1 : i32
        %mul3A_237 = arith.muli %scan3A_235, %mul3A_236 : i32
        %add3A_238 = arith.constant 0 : i32
        %add3A_239 = arith.addi %add3A_238, %mul3A_237 : i32
        %mul3A_240 = arith.constant 16 : i32
        %mul3A_241 = arith.muli %add3A_239, %mul3A_240 : i32
        %get3A_242 = arith.index_cast %mul3A_241 : i32 to index
        %get3A_243 = tpu.vector_load %arg9[%get3A_242] {strides = array<i32>} : memref<2048xi32, #tpu.memory_space<vmem>>, vector<16xi32>,
        %mul3A_244 = arith.constant 16 : i32
        %mul3A_245 = arith.muli %add3A_239, %mul3A_244 : i32
        %add3A_246 = vector.broadcast %mul3A_245 : i32 to vector<16xi32>
        %add3A_247 = arith.addi %iota3A, %add3A_246 : vector<16xi32>
        %shift_right_logical3A_248 = arith.shrui %get3A_243, %broadcast_in_dim3A_159 : vector<16xi32>
        %and3A_249 = arith.andi %shift_right_logical3A_248, %broadcast_in_dim3A_24 : vector<16xi32>
        %broadcast_in_dim3A_250 = arith.constant true
        %broadcast_in_dim3A_251 = vector.broadcast %broadcast_in_dim3A_250 : i1 to vector<16xi1>
        %unique3A_252, %unique3A_253 = tpu.scan_count mask(%broadcast_in_dim3A_251 : vector<16xi1>) value(%and3A_249 : vector<16xi32>) : vector<16xi1>, vector<16xi32>
        %gather3A_254 = tpu.vector_load_idx %arg13[%and3A_249] : memref<1024xi32, #tpu.memory_space<vmem>>[vector<16xi32>], vector<16xi32>,
        %add3A_255 = arith.addi %gather3A_254, %unique3A_253 : vector<16xi32>
        tpu.vector_store_idx %arg11[%add3A_255], %get3A_243 : memref<2048xi32, #tpu.memory_space<vmem>>[vector<16xi32>], vector<16xi32>,
        tpu.vector_store_idx %arg12[%add3A_255], %add3A_247 : memref<2048xi32, #tpu.memory_space<vmem>>[vector<16xi32>], vector<16xi32>,
        tpu.vector_store_idx %arg13[%and3A_249], %add3A_255 masked %unique3A_252 : memref<1024xi32, #tpu.memory_space<vmem>>[vector<16xi32>], vector<16xi32>, vector<16xi1>
        %shift_right_logical3A_256 = arith.shrui %get3A_243, %broadcast_in_dim3A_161 : vector<16xi32>
        %and3A_257 = arith.andi %shift_right_logical3A_256, %broadcast_in_dim3A_24 : vector<16xi32>
        %broadcast_in_dim3A_258 = arith.constant true
        %broadcast_in_dim3A_259 = vector.broadcast %broadcast_in_dim3A_258 : i1 to vector<16xi1>
        %unique3A_260, %unique3A_261 = tpu.scan_count mask(%broadcast_in_dim3A_259 : vector<16xi1>) value(%and3A_257 : vector<16xi32>) : vector<16xi1>, vector<16xi32>
        tpu.vector_store_idx %arg14[%and3A_257], %unique3A_261 masked %unique3A_260 {add = true} : memref<1024xi32, #tpu.memory_space<vmem>>[vector<16xi32>], vector<16xi32>, vector<16xi1>
        %scan3A_262 = arith.constant 2 : i32
        %scan3A_263 = arith.addi %scan3A_211, %scan3A_262 : i32
        %mul3A_264 = arith.constant 1 : i32
        %mul3A_265 = arith.muli %scan3A_263, %mul3A_264 : i32
        %add3A_266 = arith.constant 0 : i32
        %add3A_267 = arith.addi %add3A_266, %mul3A_265 : i32
        %mul3A_268 = arith.constant 16 : i32
        %mul3A_269 = arith.muli %add3A_267, %mul3A_268 : i32
        %get3A_270 = arith.index_cast %mul3A_269 : i32 to index
        %get3A_271 = tpu.vector_load %arg9[%get3A_270] {strides = array<i32>} : memref<2048xi32, #tpu.memory_space<vmem>>, vector<16xi32>,
        %mul3A_272 = arith.constant 16 : i32
        %mul3A_273 = arith.muli %add3A_267, %mul3A_272 : i32
        %add3A_274 = vector.broadcast %mul3A_273 : i32 to vector<16xi32>
        %add3A_275 = arith.addi %iota3A, %add3A_274 : vector<16xi32>
        %shift_right_logical3A_276 = arith.shrui %get3A_271, %broadcast_in_dim3A_159 : vector<16xi32>
        %and3A_277 = arith.andi %shift_right_logical3A_276, %broadcast_in_dim3A_24 : vector<16xi32>
        %broadcast_in_dim3A_278 = arith.constant true
        %broadcast_in_dim3A_279 = vector.broadcast %broadcast_in_dim3A_278 : i1 to vector<16xi1>
        %unique3A_280, %unique3A_281 = tpu.scan_count mask(%broadcast_in_dim3A_279 : vector<16xi1>) value(%and3A_277 : vector<16xi32>) : vector<16xi1>, vector<16xi32>
        %gather3A_282 = tpu.vector_load_idx %arg13[%and3A_277] : memref<1024xi32, #tpu.memory_space<vmem>>[vector<16xi32>], vector<16xi32>,
        %add3A_283 = arith.addi %gather3A_282, %unique3A_281 : vector<16xi32>
        tpu.vector_store_idx %arg11[%add3A_283], %get3A_271 : memref<2048xi32, #tpu.memory_space<vmem>>[vector<16xi32>], vector<16xi32>,
        tpu.vector_store_idx %arg12[%add3A_283], %add3A_275 : memref<2048xi32, #tpu.memory_space<vmem>>[vector<16xi32>], vector<16xi32>,
        tpu.vector_store_idx %arg13[%and3A_277], %add3A_283 masked %unique3A_280 : memref<1024xi32, #tpu.memory_space<vmem>>[vector<16xi32>], vector<16xi32>, vector<16xi1>
        %shift_right_logical3A_284 = arith.shrui %get3A_271, %broadcast_in_dim3A_161 : vector<16xi32>
        %and3A_285 = arith.andi %shift_right_logical3A_284, %broadcast_in_dim3A_24 : vector<16xi32>
        %broadcast_in_dim3A_286 = arith.constant true
        %broadcast_in_dim3A_287 = vector.broadcast %broadcast_in_dim3A_286 : i1 to vector<16xi1>
        %unique3A_288, %unique3A_289 = tpu.scan_count mask(%broadcast_in_dim3A_287 : vector<16xi1>) value(%and3A_285 : vector<16xi32>) : vector<16xi1>, vector<16xi32>
        tpu.vector_store_idx %arg14[%and3A_285], %unique3A_289 masked %unique3A_288 {add = true} : memref<1024xi32, #tpu.memory_space<vmem>>[vector<16xi32>], vector<16xi32>, vector<16xi1>
        %scan3A_290 = arith.constant 3 : i32
        %scan3A_291 = arith.addi %scan3A_211, %scan3A_290 : i32
        %mul3A_292 = arith.constant 1 : i32
        %mul3A_293 = arith.muli %scan3A_291, %mul3A_292 : i32
        %add3A_294 = arith.constant 0 : i32
        %add3A_295 = arith.addi %add3A_294, %mul3A_293 : i32
        %mul3A_296 = arith.constant 16 : i32
        %mul3A_297 = arith.muli %add3A_295, %mul3A_296 : i32
        %get3A_298 = arith.index_cast %mul3A_297 : i32 to index
        %get3A_299 = tpu.vector_load %arg9[%get3A_298] {strides = array<i32>} : memref<2048xi32, #tpu.memory_space<vmem>>, vector<16xi32>,
        %mul3A_300 = arith.constant 16 : i32
        %mul3A_301 = arith.muli %add3A_295, %mul3A_300 : i32
        %add3A_302 = vector.broadcast %mul3A_301 : i32 to vector<16xi32>
        %add3A_303 = arith.addi %iota3A, %add3A_302 : vector<16xi32>
        %shift_right_logical3A_304 = arith.shrui %get3A_299, %broadcast_in_dim3A_159 : vector<16xi32>
        %and3A_305 = arith.andi %shift_right_logical3A_304, %broadcast_in_dim3A_24 : vector<16xi32>
        %broadcast_in_dim3A_306 = arith.constant true
        %broadcast_in_dim3A_307 = vector.broadcast %broadcast_in_dim3A_306 : i1 to vector<16xi1>
        %unique3A_308, %unique3A_309 = tpu.scan_count mask(%broadcast_in_dim3A_307 : vector<16xi1>) value(%and3A_305 : vector<16xi32>) : vector<16xi1>, vector<16xi32>
        %gather3A_310 = tpu.vector_load_idx %arg13[%and3A_305] : memref<1024xi32, #tpu.memory_space<vmem>>[vector<16xi32>], vector<16xi32>,
        %add3A_311 = arith.addi %gather3A_310, %unique3A_309 : vector<16xi32>
        tpu.vector_store_idx %arg11[%add3A_311], %get3A_299 : memref<2048xi32, #tpu.memory_space<vmem>>[vector<16xi32>], vector<16xi32>,
        tpu.vector_store_idx %arg12[%add3A_311], %add3A_303 : memref<2048xi32, #tpu.memory_space<vmem>>[vector<16xi32>], vector<16xi32>,
        tpu.vector_store_idx %arg13[%and3A_305], %add3A_311 masked %unique3A_308 : memref<1024xi32, #tpu.memory_space<vmem>>[vector<16xi32>], vector<16xi32>, vector<16xi1>
        %shift_right_logical3A_312 = arith.shrui %get3A_299, %broadcast_in_dim3A_161 : vector<16xi32>
        %and3A_313 = arith.andi %shift_right_logical3A_312, %broadcast_in_dim3A_24 : vector<16xi32>
        %broadcast_in_dim3A_314 = arith.constant true
        %broadcast_in_dim3A_315 = vector.broadcast %broadcast_in_dim3A_314 : i1 to vector<16xi1>
        %unique3A_316, %unique3A_317 = tpu.scan_count mask(%broadcast_in_dim3A_315 : vector<16xi1>) value(%and3A_313 : vector<16xi32>) : vector<16xi1>, vector<16xi32>
        tpu.vector_store_idx %arg14[%and3A_313], %unique3A_317 masked %unique3A_316 {add = true} : memref<1024xi32, #tpu.memory_space<vmem>>[vector<16xi32>], vector<16xi32>, vector<16xi1>
      }
      %scan3A_173 = arith.constant 128 : i32
      %broadcast_in_dim3A_174 = arith.constant 10 : i32
      %broadcast_in_dim3A_175 = vector.broadcast %broadcast_in_dim3A_174 : i32 to vector<16xi32>
      %broadcast_in_dim3A_176 = arith.constant 20 : i32
      %broadcast_in_dim3A_177 = vector.broadcast %broadcast_in_dim3A_176 : i32 to vector<16xi32>
      %scan3A_178 = arith.constant -1 : i32
      %scan3A_179 = arith.constant 0 : i32
      %scan3A_180 = arith.constant 64 : i32
      %scan3A_181 = arith.addi %scan3A_179, %scan3A_180 : i32
      %scan3A_182 = arith.constant 1 : i32
      %scan3A_183 = scf.for %scan3A_211 = %scan3A_179 to %scan3A_181 step %scan3A_182 iter_args(%scan3A_212 = %scan3A_178) -> (i32)  : i32 {
        %mul3A_213 = arith.constant 1 : i32
        %mul3A_214 = arith.muli %scan3A_211, %mul3A_213 : i32
        %add3A_215 = arith.constant 0 : i32
        %add3A_216 = arith.addi %add3A_215, %mul3A_214 : i32
        %mul3A_217 = arith.constant 16 : i32
        %mul3A_218 = arith.muli %add3A_216, %mul3A_217 : i32
        %get3A = arith.index_cast %mul3A_218 : i32 to index
        %get3A_219 = tpu.vector_load %arg14[%get3A] {strides = array<i32>} : memref<1024xi32, #tpu.memory_space<vmem>>, vector<16xi32>,
        %broadcast_in_dim3A_220 = arith.constant true
        %broadcast_in_dim3A_221 = vector.broadcast %broadcast_in_dim3A_220 : i1 to vector<16xi1>
        %masked_cumsum3A = tpu.scan <sum>, %get3A_219 masked %broadcast_in_dim3A_221 : vector<16xi32>, vector<16xi1> -> vector<16xi32>
        %sub3A = arith.subi %masked_cumsum3A, %get3A_219 : vector<16xi32>
        %add3A_222 = vector.broadcast %scan3A_212 : i32 to vector<16xi32>
        %add3A_223 = arith.addi %sub3A, %add3A_222 : vector<16xi32>
        %mul3A_224 = arith.constant 16 : i32
        %mul3A_225 = arith.muli %add3A_216, %mul3A_224 : i32
        %swap3A_226 = arith.index_cast %mul3A_225 : i32 to index
        %swap3A_227 = tpu.vector_load %arg14[%swap3A_226] {strides = array<i32>} : memref<1024xi32, #tpu.memory_space<vmem>>, vector<16xi32>,
        tpu.vector_store %arg14[%swap3A_226], %add3A_223 {strides = array<i32>} : memref<1024xi32, #tpu.memory_space<vmem>>, vector<16xi32>,
        %mul3A_228 = arith.constant 16 : i32
        %mul3A_229 = arith.muli %add3A_216, %mul3A_228 : i32
        %swap3A_230 = arith.index_cast %mul3A_229 : i32 to index
        %swap3A_231 = tpu.vector_load %arg13[%swap3A_230] {strides = array<i32>} : memref<1024xi32, #tpu.memory_space<vmem>>, vector<16xi32>,
        tpu.vector_store %arg13[%swap3A_230], %broadcast_in_dim3A_26 {strides = array<i32>} : memref<1024xi32, #tpu.memory_space<vmem>>, vector<16xi32>,
        %reduce_sum3A = arith.constant true
        %reduce_sum3A_232 = vector.broadcast %reduce_sum3A : i1 to vector<16xi1>
        %reduce_sum3A_233 = tpu.scan <sum>, %get3A_219 masked %reduce_sum3A_232 : vector<16xi32>, vector<16xi1> -> vector<16xi32>
        %reduce_sum3A_234 = vector.extract %reduce_sum3A_233[15] : i32 from vector<16xi32>
        %add3A_235 = arith.addi %scan3A_212, %reduce_sum3A_234 : i32
        scf.yield %add3A_235 : i32
      }
      %scan3A_184 = arith.constant 64 : i32
      %scan3A_185 = arith.constant 0 : i32
      %scan3A_186 = arith.constant 128 : i32
      %scan3A_187 = arith.addi %scan3A_185, %scan3A_186 : i32
      %scan3A_188 = arith.constant 4 : i32
      scf.for %scan3A_211 = %scan3A_185 to %scan3A_187 step %scan3A_188  : i32 {
        %mul3A_212 = arith.constant 1 : i32
        %mul3A_213 = arith.muli %scan3A_211, %mul3A_212 : i32
        %add3A_214 = arith.constant 0 : i32
        %add3A_215 = arith.addi %add3A_214, %mul3A_213 : i32
        %mul3A_216 = arith.constant 16 : i32
        %mul3A_217 = arith.muli %add3A_215, %mul3A_216 : i32
        %get3A = arith.index_cast %mul3A_217 : i32 to index
        %get3A_218 = tpu.vector_load %arg11[%get3A] {strides = array<i32>} : memref<2048xi32, #tpu.memory_space<vmem>>, vector<16xi32>,
        %mul3A_219 = arith.constant 16 : i32
        %mul3A_220 = arith.muli %add3A_215, %mul3A_219 : i32
        %get3A_221 = arith.index_cast %mul3A_220 : i32 to index
        %get3A_222 = tpu.vector_load %arg12[%get3A_221] {strides = array<i32>} : memref<2048xi32, #tpu.memory_space<vmem>>, vector<16xi32>,
        %shift_right_logical3A = arith.shrui %get3A_218, %broadcast_in_dim3A_175 : vector<16xi32>
        %and3A_223 = arith.andi %shift_right_logical3A, %broadcast_in_dim3A_24 : vector<16xi32>
        %broadcast_in_dim3A_224 = arith.constant true
        %broadcast_in_dim3A_225 = vector.broadcast %broadcast_in_dim3A_224 : i1 to vector<16xi1>
        %unique3A, %unique3A_226 = tpu.scan_count mask(%broadcast_in_dim3A_225 : vector<16xi1>) value(%and3A_223 : vector<16xi32>) : vector<16xi1>, vector<16xi32>
        %gather3A = tpu.vector_load_idx %arg14[%and3A_223] : memref<1024xi32, #tpu.memory_space<vmem>>[vector<16xi32>], vector<16xi32>,
        %add3A_227 = arith.addi %gather3A, %unique3A_226 : vector<16xi32>
        tpu.vector_store_idx %arg9[%add3A_227], %get3A_218 : memref<2048xi32, #tpu.memory_space<vmem>>[vector<16xi32>], vector<16xi32>,
        tpu.vector_store_idx %arg10[%add3A_227], %get3A_222 : memref<2048xi32, #tpu.memory_space<vmem>>[vector<16xi32>], vector<16xi32>,
        tpu.vector_store_idx %arg14[%and3A_223], %add3A_227 masked %unique3A : memref<1024xi32, #tpu.memory_space<vmem>>[vector<16xi32>], vector<16xi32>, vector<16xi1>
        %shift_right_logical3A_228 = arith.shrui %get3A_218, %broadcast_in_dim3A_177 : vector<16xi32>
        %and3A_229 = arith.andi %shift_right_logical3A_228, %broadcast_in_dim3A_24 : vector<16xi32>
        %broadcast_in_dim3A_230 = arith.constant true
        %broadcast_in_dim3A_231 = vector.broadcast %broadcast_in_dim3A_230 : i1 to vector<16xi1>
        %unique3A_232, %unique3A_233 = tpu.scan_count mask(%broadcast_in_dim3A_231 : vector<16xi1>) value(%and3A_229 : vector<16xi32>) : vector<16xi1>, vector<16xi32>
        tpu.vector_store_idx %arg13[%and3A_229], %unique3A_233 masked %unique3A_232 {add = true} : memref<1024xi32, #tpu.memory_space<vmem>>[vector<16xi32>], vector<16xi32>, vector<16xi1>
        %scan3A_234 = arith.constant 1 : i32
        %scan3A_235 = arith.addi %scan3A_211, %scan3A_234 : i32
        %mul3A_236 = arith.constant 1 : i32
        %mul3A_237 = arith.muli %scan3A_235, %mul3A_236 : i32
        %add3A_238 = arith.constant 0 : i32
        %add3A_239 = arith.addi %add3A_238, %mul3A_237 : i32
        %mul3A_240 = arith.constant 16 : i32
        %mul3A_241 = arith.muli %add3A_239, %mul3A_240 : i32
        %get3A_242 = arith.index_cast %mul3A_241 : i32 to index
        %get3A_243 = tpu.vector_load %arg11[%get3A_242] {strides = array<i32>} : memref<2048xi32, #tpu.memory_space<vmem>>, vector<16xi32>,
        %mul3A_244 = arith.constant 16 : i32
        %mul3A_245 = arith.muli %add3A_239, %mul3A_244 : i32
        %get3A_246 = arith.index_cast %mul3A_245 : i32 to index
        %get3A_247 = tpu.vector_load %arg12[%get3A_246] {strides = array<i32>} : memref<2048xi32, #tpu.memory_space<vmem>>, vector<16xi32>,
        %shift_right_logical3A_248 = arith.shrui %get3A_243, %broadcast_in_dim3A_175 : vector<16xi32>
        %and3A_249 = arith.andi %shift_right_logical3A_248, %broadcast_in_dim3A_24 : vector<16xi32>
        %broadcast_in_dim3A_250 = arith.constant true
        %broadcast_in_dim3A_251 = vector.broadcast %broadcast_in_dim3A_250 : i1 to vector<16xi1>
        %unique3A_252, %unique3A_253 = tpu.scan_count mask(%broadcast_in_dim3A_251 : vector<16xi1>) value(%and3A_249 : vector<16xi32>) : vector<16xi1>, vector<16xi32>
        %gather3A_254 = tpu.vector_load_idx %arg14[%and3A_249] : memref<1024xi32, #tpu.memory_space<vmem>>[vector<16xi32>], vector<16xi32>,
        %add3A_255 = arith.addi %gather3A_254, %unique3A_253 : vector<16xi32>
        tpu.vector_store_idx %arg9[%add3A_255], %get3A_243 : memref<2048xi32, #tpu.memory_space<vmem>>[vector<16xi32>], vector<16xi32>,
        tpu.vector_store_idx %arg10[%add3A_255], %get3A_247 : memref<2048xi32, #tpu.memory_space<vmem>>[vector<16xi32>], vector<16xi32>,
        tpu.vector_store_idx %arg14[%and3A_249], %add3A_255 masked %unique3A_252 : memref<1024xi32, #tpu.memory_space<vmem>>[vector<16xi32>], vector<16xi32>, vector<16xi1>
        %shift_right_logical3A_256 = arith.shrui %get3A_243, %broadcast_in_dim3A_177 : vector<16xi32>
        %and3A_257 = arith.andi %shift_right_logical3A_256, %broadcast_in_dim3A_24 : vector<16xi32>
        %broadcast_in_dim3A_258 = arith.constant true
        %broadcast_in_dim3A_259 = vector.broadcast %broadcast_in_dim3A_258 : i1 to vector<16xi1>
        %unique3A_260, %unique3A_261 = tpu.scan_count mask(%broadcast_in_dim3A_259 : vector<16xi1>) value(%and3A_257 : vector<16xi32>) : vector<16xi1>, vector<16xi32>
        tpu.vector_store_idx %arg13[%and3A_257], %unique3A_261 masked %unique3A_260 {add = true} : memref<1024xi32, #tpu.memory_space<vmem>>[vector<16xi32>], vector<16xi32>, vector<16xi1>
        %scan3A_262 = arith.constant 2 : i32
        %scan3A_263 = arith.addi %scan3A_211, %scan3A_262 : i32
        %mul3A_264 = arith.constant 1 : i32
        %mul3A_265 = arith.muli %scan3A_263, %mul3A_264 : i32
        %add3A_266 = arith.constant 0 : i32
        %add3A_267 = arith.addi %add3A_266, %mul3A_265 : i32
        %mul3A_268 = arith.constant 16 : i32
        %mul3A_269 = arith.muli %add3A_267, %mul3A_268 : i32
        %get3A_270 = arith.index_cast %mul3A_269 : i32 to index
        %get3A_271 = tpu.vector_load %arg11[%get3A_270] {strides = array<i32>} : memref<2048xi32, #tpu.memory_space<vmem>>, vector<16xi32>,
        %mul3A_272 = arith.constant 16 : i32
        %mul3A_273 = arith.muli %add3A_267, %mul3A_272 : i32
        %get3A_274 = arith.index_cast %mul3A_273 : i32 to index
        %get3A_275 = tpu.vector_load %arg12[%get3A_274] {strides = array<i32>} : memref<2048xi32, #tpu.memory_space<vmem>>, vector<16xi32>,
        %shift_right_logical3A_276 = arith.shrui %get3A_271, %broadcast_in_dim3A_175 : vector<16xi32>
        %and3A_277 = arith.andi %shift_right_logical3A_276, %broadcast_in_dim3A_24 : vector<16xi32>
        %broadcast_in_dim3A_278 = arith.constant true
        %broadcast_in_dim3A_279 = vector.broadcast %broadcast_in_dim3A_278 : i1 to vector<16xi1>
        %unique3A_280, %unique3A_281 = tpu.scan_count mask(%broadcast_in_dim3A_279 : vector<16xi1>) value(%and3A_277 : vector<16xi32>) : vector<16xi1>, vector<16xi32>
        %gather3A_282 = tpu.vector_load_idx %arg14[%and3A_277] : memref<1024xi32, #tpu.memory_space<vmem>>[vector<16xi32>], vector<16xi32>,
        %add3A_283 = arith.addi %gather3A_282, %unique3A_281 : vector<16xi32>
        tpu.vector_store_idx %arg9[%add3A_283], %get3A_271 : memref<2048xi32, #tpu.memory_space<vmem>>[vector<16xi32>], vector<16xi32>,
        tpu.vector_store_idx %arg10[%add3A_283], %get3A_275 : memref<2048xi32, #tpu.memory_space<vmem>>[vector<16xi32>], vector<16xi32>,
        tpu.vector_store_idx %arg14[%and3A_277], %add3A_283 masked %unique3A_280 : memref<1024xi32, #tpu.memory_space<vmem>>[vector<16xi32>], vector<16xi32>, vector<16xi1>
        %shift_right_logical3A_284 = arith.shrui %get3A_271, %broadcast_in_dim3A_177 : vector<16xi32>
        %and3A_285 = arith.andi %shift_right_logical3A_284, %broadcast_in_dim3A_24 : vector<16xi32>
        %broadcast_in_dim3A_286 = arith.constant true
        %broadcast_in_dim3A_287 = vector.broadcast %broadcast_in_dim3A_286 : i1 to vector<16xi1>
        %unique3A_288, %unique3A_289 = tpu.scan_count mask(%broadcast_in_dim3A_287 : vector<16xi1>) value(%and3A_285 : vector<16xi32>) : vector<16xi1>, vector<16xi32>
        tpu.vector_store_idx %arg13[%and3A_285], %unique3A_289 masked %unique3A_288 {add = true} : memref<1024xi32, #tpu.memory_space<vmem>>[vector<16xi32>], vector<16xi32>, vector<16xi1>
        %scan3A_290 = arith.constant 3 : i32
        %scan3A_291 = arith.addi %scan3A_211, %scan3A_290 : i32
        %mul3A_292 = arith.constant 1 : i32
        %mul3A_293 = arith.muli %scan3A_291, %mul3A_292 : i32
        %add3A_294 = arith.constant 0 : i32
        %add3A_295 = arith.addi %add3A_294, %mul3A_293 : i32
        %mul3A_296 = arith.constant 16 : i32
        %mul3A_297 = arith.muli %add3A_295, %mul3A_296 : i32
        %get3A_298 = arith.index_cast %mul3A_297 : i32 to index
        %get3A_299 = tpu.vector_load %arg11[%get3A_298] {strides = array<i32>} : memref<2048xi32, #tpu.memory_space<vmem>>, vector<16xi32>,
        %mul3A_300 = arith.constant 16 : i32
        %mul3A_301 = arith.muli %add3A_295, %mul3A_300 : i32
        %get3A_302 = arith.index_cast %mul3A_301 : i32 to index
        %get3A_303 = tpu.vector_load %arg12[%get3A_302] {strides = array<i32>} : memref<2048xi32, #tpu.memory_space<vmem>>, vector<16xi32>,
        %shift_right_logical3A_304 = arith.shrui %get3A_299, %broadcast_in_dim3A_175 : vector<16xi32>
        %and3A_305 = arith.andi %shift_right_logical3A_304, %broadcast_in_dim3A_24 : vector<16xi32>
        %broadcast_in_dim3A_306 = arith.constant true
        %broadcast_in_dim3A_307 = vector.broadcast %broadcast_in_dim3A_306 : i1 to vector<16xi1>
        %unique3A_308, %unique3A_309 = tpu.scan_count mask(%broadcast_in_dim3A_307 : vector<16xi1>) value(%and3A_305 : vector<16xi32>) : vector<16xi1>, vector<16xi32>
        %gather3A_310 = tpu.vector_load_idx %arg14[%and3A_305] : memref<1024xi32, #tpu.memory_space<vmem>>[vector<16xi32>], vector<16xi32>,
        %add3A_311 = arith.addi %gather3A_310, %unique3A_309 : vector<16xi32>
        tpu.vector_store_idx %arg9[%add3A_311], %get3A_299 : memref<2048xi32, #tpu.memory_space<vmem>>[vector<16xi32>], vector<16xi32>,
        tpu.vector_store_idx %arg10[%add3A_311], %get3A_303 : memref<2048xi32, #tpu.memory_space<vmem>>[vector<16xi32>], vector<16xi32>,
        tpu.vector_store_idx %arg14[%and3A_305], %add3A_311 masked %unique3A_308 : memref<1024xi32, #tpu.memory_space<vmem>>[vector<16xi32>], vector<16xi32>, vector<16xi1>
        %shift_right_logical3A_312 = arith.shrui %get3A_299, %broadcast_in_dim3A_177 : vector<16xi32>
        %and3A_313 = arith.andi %shift_right_logical3A_312, %broadcast_in_dim3A_24 : vector<16xi32>
        %broadcast_in_dim3A_314 = arith.constant true
        %broadcast_in_dim3A_315 = vector.broadcast %broadcast_in_dim3A_314 : i1 to vector<16xi1>
        %unique3A_316, %unique3A_317 = tpu.scan_count mask(%broadcast_in_dim3A_315 : vector<16xi1>) value(%and3A_313 : vector<16xi32>) : vector<16xi1>, vector<16xi32>
        tpu.vector_store_idx %arg13[%and3A_313], %unique3A_317 masked %unique3A_316 {add = true} : memref<1024xi32, #tpu.memory_space<vmem>>[vector<16xi32>], vector<16xi32>, vector<16xi1>
      }
      %scan3A_189 = arith.constant 128 : i32
      %broadcast_in_dim3A_190 = arith.constant 20 : i32
      %broadcast_in_dim3A_191 = vector.broadcast %broadcast_in_dim3A_190 : i32 to vector<16xi32>
      %broadcast_in_dim3A_192 = arith.constant 30 : i32
      %broadcast_in_dim3A_193 = vector.broadcast %broadcast_in_dim3A_192 : i32 to vector<16xi32>
      %scan3A_194 = arith.constant -1 : i32
      %scan3A_195 = arith.constant 0 : i32
      %scan3A_196 = arith.constant 64 : i32
      %scan3A_197 = arith.addi %scan3A_195, %scan3A_196 : i32
      %scan3A_198 = arith.constant 1 : i32
      %scan3A_199 = scf.for %scan3A_211 = %scan3A_195 to %scan3A_197 step %scan3A_198 iter_args(%scan3A_212 = %scan3A_194) -> (i32)  : i32 {
        %mul3A_213 = arith.constant 1 : i32
        %mul3A_214 = arith.muli %scan3A_211, %mul3A_213 : i32
        %add3A_215 = arith.constant 0 : i32
        %add3A_216 = arith.addi %add3A_215, %mul3A_214 : i32
        %mul3A_217 = arith.constant 16 : i32
        %mul3A_218 = arith.muli %add3A_216, %mul3A_217 : i32
        %get3A = arith.index_cast %mul3A_218 : i32 to index
        %get3A_219 = tpu.vector_load %arg13[%get3A] {strides = array<i32>} : memref<1024xi32, #tpu.memory_space<vmem>>, vector<16xi32>,
        %broadcast_in_dim3A_220 = arith.constant true
        %broadcast_in_dim3A_221 = vector.broadcast %broadcast_in_dim3A_220 : i1 to vector<16xi1>
        %masked_cumsum3A = tpu.scan <sum>, %get3A_219 masked %broadcast_in_dim3A_221 : vector<16xi32>, vector<16xi1> -> vector<16xi32>
        %sub3A = arith.subi %masked_cumsum3A, %get3A_219 : vector<16xi32>
        %add3A_222 = vector.broadcast %scan3A_212 : i32 to vector<16xi32>
        %add3A_223 = arith.addi %sub3A, %add3A_222 : vector<16xi32>
        %mul3A_224 = arith.constant 16 : i32
        %mul3A_225 = arith.muli %add3A_216, %mul3A_224 : i32
        %swap3A_226 = arith.index_cast %mul3A_225 : i32 to index
        %swap3A_227 = tpu.vector_load %arg13[%swap3A_226] {strides = array<i32>} : memref<1024xi32, #tpu.memory_space<vmem>>, vector<16xi32>,
        tpu.vector_store %arg13[%swap3A_226], %add3A_223 {strides = array<i32>} : memref<1024xi32, #tpu.memory_space<vmem>>, vector<16xi32>,
        %reduce_sum3A = arith.constant true
        %reduce_sum3A_228 = vector.broadcast %reduce_sum3A : i1 to vector<16xi1>
        %reduce_sum3A_229 = tpu.scan <sum>, %get3A_219 masked %reduce_sum3A_228 : vector<16xi32>, vector<16xi1> -> vector<16xi32>
        %reduce_sum3A_230 = vector.extract %reduce_sum3A_229[15] : i32 from vector<16xi32>
        %add3A_231 = arith.addi %scan3A_212, %reduce_sum3A_230 : i32
        scf.yield %add3A_231 : i32
      }
      %scan3A_200 = arith.constant 64 : i32
      %scan3A_201 = arith.constant 0 : i32
      %scan3A_202 = arith.constant 128 : i32
      %scan3A_203 = arith.addi %scan3A_201, %scan3A_202 : i32
      %scan3A_204 = arith.constant 4 : i32
      scf.for %scan3A_211 = %scan3A_201 to %scan3A_203 step %scan3A_204  : i32 {
        %mul3A_212 = arith.constant 1 : i32
        %mul3A_213 = arith.muli %scan3A_211, %mul3A_212 : i32
        %add3A_214 = arith.constant 0 : i32
        %add3A_215 = arith.addi %add3A_214, %mul3A_213 : i32
        %mul3A_216 = arith.constant 16 : i32
        %mul3A_217 = arith.muli %add3A_215, %mul3A_216 : i32
        %get3A = arith.index_cast %mul3A_217 : i32 to index
        %get3A_218 = tpu.vector_load %arg9[%get3A] {strides = array<i32>} : memref<2048xi32, #tpu.memory_space<vmem>>, vector<16xi32>,
        %mul3A_219 = arith.constant 16 : i32
        %mul3A_220 = arith.muli %add3A_215, %mul3A_219 : i32
        %get3A_221 = arith.index_cast %mul3A_220 : i32 to index
        %get3A_222 = tpu.vector_load %arg10[%get3A_221] {strides = array<i32>} : memref<2048xi32, #tpu.memory_space<vmem>>, vector<16xi32>,
        %shift_right_logical3A = arith.shrui %get3A_218, %broadcast_in_dim3A_191 : vector<16xi32>
        %and3A_223 = arith.andi %shift_right_logical3A, %broadcast_in_dim3A_24 : vector<16xi32>
        %broadcast_in_dim3A_224 = arith.constant true
        %broadcast_in_dim3A_225 = vector.broadcast %broadcast_in_dim3A_224 : i1 to vector<16xi1>
        %unique3A, %unique3A_226 = tpu.scan_count mask(%broadcast_in_dim3A_225 : vector<16xi1>) value(%and3A_223 : vector<16xi32>) : vector<16xi1>, vector<16xi32>
        %gather3A = tpu.vector_load_idx %arg13[%and3A_223] : memref<1024xi32, #tpu.memory_space<vmem>>[vector<16xi32>], vector<16xi32>,
        %add3A_227 = arith.addi %gather3A, %unique3A_226 : vector<16xi32>
        tpu.vector_store_idx %arg11[%add3A_227], %get3A_218 : memref<2048xi32, #tpu.memory_space<vmem>>[vector<16xi32>], vector<16xi32>,
        tpu.vector_store_idx %arg12[%add3A_227], %get3A_222 : memref<2048xi32, #tpu.memory_space<vmem>>[vector<16xi32>], vector<16xi32>,
        tpu.vector_store_idx %arg13[%and3A_223], %add3A_227 masked %unique3A : memref<1024xi32, #tpu.memory_space<vmem>>[vector<16xi32>], vector<16xi32>, vector<16xi1>
        %scan3A_228 = arith.constant 1 : i32
        %scan3A_229 = arith.addi %scan3A_211, %scan3A_228 : i32
        %mul3A_230 = arith.constant 1 : i32
        %mul3A_231 = arith.muli %scan3A_229, %mul3A_230 : i32
        %add3A_232 = arith.constant 0 : i32
        %add3A_233 = arith.addi %add3A_232, %mul3A_231 : i32
        %mul3A_234 = arith.constant 16 : i32
        %mul3A_235 = arith.muli %add3A_233, %mul3A_234 : i32
        %get3A_236 = arith.index_cast %mul3A_235 : i32 to index
        %get3A_237 = tpu.vector_load %arg9[%get3A_236] {strides = array<i32>} : memref<2048xi32, #tpu.memory_space<vmem>>, vector<16xi32>,
        %mul3A_238 = arith.constant 16 : i32
        %mul3A_239 = arith.muli %add3A_233, %mul3A_238 : i32
        %get3A_240 = arith.index_cast %mul3A_239 : i32 to index
        %get3A_241 = tpu.vector_load %arg10[%get3A_240] {strides = array<i32>} : memref<2048xi32, #tpu.memory_space<vmem>>, vector<16xi32>,
        %shift_right_logical3A_242 = arith.shrui %get3A_237, %broadcast_in_dim3A_191 : vector<16xi32>
        %and3A_243 = arith.andi %shift_right_logical3A_242, %broadcast_in_dim3A_24 : vector<16xi32>
        %broadcast_in_dim3A_244 = arith.constant true
        %broadcast_in_dim3A_245 = vector.broadcast %broadcast_in_dim3A_244 : i1 to vector<16xi1>
        %unique3A_246, %unique3A_247 = tpu.scan_count mask(%broadcast_in_dim3A_245 : vector<16xi1>) value(%and3A_243 : vector<16xi32>) : vector<16xi1>, vector<16xi32>
        %gather3A_248 = tpu.vector_load_idx %arg13[%and3A_243] : memref<1024xi32, #tpu.memory_space<vmem>>[vector<16xi32>], vector<16xi32>,
        %add3A_249 = arith.addi %gather3A_248, %unique3A_247 : vector<16xi32>
        tpu.vector_store_idx %arg11[%add3A_249], %get3A_237 : memref<2048xi32, #tpu.memory_space<vmem>>[vector<16xi32>], vector<16xi32>,
        tpu.vector_store_idx %arg12[%add3A_249], %get3A_241 : memref<2048xi32, #tpu.memory_space<vmem>>[vector<16xi32>], vector<16xi32>,
        tpu.vector_store_idx %arg13[%and3A_243], %add3A_249 masked %unique3A_246 : memref<1024xi32, #tpu.memory_space<vmem>>[vector<16xi32>], vector<16xi32>, vector<16xi1>
        %scan3A_250 = arith.constant 2 : i32
        %scan3A_251 = arith.addi %scan3A_211, %scan3A_250 : i32
        %mul3A_252 = arith.constant 1 : i32
        %mul3A_253 = arith.muli %scan3A_251, %mul3A_252 : i32
        %add3A_254 = arith.constant 0 : i32
        %add3A_255 = arith.addi %add3A_254, %mul3A_253 : i32
        %mul3A_256 = arith.constant 16 : i32
        %mul3A_257 = arith.muli %add3A_255, %mul3A_256 : i32
        %get3A_258 = arith.index_cast %mul3A_257 : i32 to index
        %get3A_259 = tpu.vector_load %arg9[%get3A_258] {strides = array<i32>} : memref<2048xi32, #tpu.memory_space<vmem>>, vector<16xi32>,
        %mul3A_260 = arith.constant 16 : i32
        %mul3A_261 = arith.muli %add3A_255, %mul3A_260 : i32
        %get3A_262 = arith.index_cast %mul3A_261 : i32 to index
        %get3A_263 = tpu.vector_load %arg10[%get3A_262] {strides = array<i32>} : memref<2048xi32, #tpu.memory_space<vmem>>, vector<16xi32>,
        %shift_right_logical3A_264 = arith.shrui %get3A_259, %broadcast_in_dim3A_191 : vector<16xi32>
        %and3A_265 = arith.andi %shift_right_logical3A_264, %broadcast_in_dim3A_24 : vector<16xi32>
        %broadcast_in_dim3A_266 = arith.constant true
        %broadcast_in_dim3A_267 = vector.broadcast %broadcast_in_dim3A_266 : i1 to vector<16xi1>
        %unique3A_268, %unique3A_269 = tpu.scan_count mask(%broadcast_in_dim3A_267 : vector<16xi1>) value(%and3A_265 : vector<16xi32>) : vector<16xi1>, vector<16xi32>
        %gather3A_270 = tpu.vector_load_idx %arg13[%and3A_265] : memref<1024xi32, #tpu.memory_space<vmem>>[vector<16xi32>], vector<16xi32>,
        %add3A_271 = arith.addi %gather3A_270, %unique3A_269 : vector<16xi32>
        tpu.vector_store_idx %arg11[%add3A_271], %get3A_259 : memref<2048xi32, #tpu.memory_space<vmem>>[vector<16xi32>], vector<16xi32>,
        tpu.vector_store_idx %arg12[%add3A_271], %get3A_263 : memref<2048xi32, #tpu.memory_space<vmem>>[vector<16xi32>], vector<16xi32>,
        tpu.vector_store_idx %arg13[%and3A_265], %add3A_271 masked %unique3A_268 : memref<1024xi32, #tpu.memory_space<vmem>>[vector<16xi32>], vector<16xi32>, vector<16xi1>
        %scan3A_272 = arith.constant 3 : i32
        %scan3A_273 = arith.addi %scan3A_211, %scan3A_272 : i32
        %mul3A_274 = arith.constant 1 : i32
        %mul3A_275 = arith.muli %scan3A_273, %mul3A_274 : i32
        %add3A_276 = arith.constant 0 : i32
        %add3A_277 = arith.addi %add3A_276, %mul3A_275 : i32
        %mul3A_278 = arith.constant 16 : i32
        %mul3A_279 = arith.muli %add3A_277, %mul3A_278 : i32
        %get3A_280 = arith.index_cast %mul3A_279 : i32 to index
        %get3A_281 = tpu.vector_load %arg9[%get3A_280] {strides = array<i32>} : memref<2048xi32, #tpu.memory_space<vmem>>, vector<16xi32>,
        %mul3A_282 = arith.constant 16 : i32
        %mul3A_283 = arith.muli %add3A_277, %mul3A_282 : i32
        %get3A_284 = arith.index_cast %mul3A_283 : i32 to index
        %get3A_285 = tpu.vector_load %arg10[%get3A_284] {strides = array<i32>} : memref<2048xi32, #tpu.memory_space<vmem>>, vector<16xi32>,
        %shift_right_logical3A_286 = arith.shrui %get3A_281, %broadcast_in_dim3A_191 : vector<16xi32>
        %and3A_287 = arith.andi %shift_right_logical3A_286, %broadcast_in_dim3A_24 : vector<16xi32>
        %broadcast_in_dim3A_288 = arith.constant true
        %broadcast_in_dim3A_289 = vector.broadcast %broadcast_in_dim3A_288 : i1 to vector<16xi1>
        %unique3A_290, %unique3A_291 = tpu.scan_count mask(%broadcast_in_dim3A_289 : vector<16xi1>) value(%and3A_287 : vector<16xi32>) : vector<16xi1>, vector<16xi32>
        %gather3A_292 = tpu.vector_load_idx %arg13[%and3A_287] : memref<1024xi32, #tpu.memory_space<vmem>>[vector<16xi32>], vector<16xi32>,
        %add3A_293 = arith.addi %gather3A_292, %unique3A_291 : vector<16xi32>
        tpu.vector_store_idx %arg11[%add3A_293], %get3A_281 : memref<2048xi32, #tpu.memory_space<vmem>>[vector<16xi32>], vector<16xi32>,
        tpu.vector_store_idx %arg12[%add3A_293], %get3A_285 : memref<2048xi32, #tpu.memory_space<vmem>>[vector<16xi32>], vector<16xi32>,
        tpu.vector_store_idx %arg13[%and3A_287], %add3A_293 masked %unique3A_290 : memref<1024xi32, #tpu.memory_space<vmem>>[vector<16xi32>], vector<16xi32>, vector<16xi1>
      }
      %scan3A_205 = arith.constant 128 : i32
      %eq3A_206 = arith.constant 1 : i32
      %eq3A_207 = arith.cmpi eq, %and3A_1, %eq3A_206 : i32
      %convert_element_type3A_208 = arith.extui %eq3A_207 : i1 to i32
      %cond3A_209 = arith.constant 0 : i32
      %cond3A_210 = arith.cmpi ne, %convert_element_type3A_208, %cond3A_209 : i32
      scf.if %cond3A_210 {
        %mul3A_211 = arith.constant 1024 : i32
        %mul3A_212 = arith.muli %shift_right_arithmetic3A_0, %mul3A_211 : i32
        "tpu.region"() ({
          %run_scoped3A = tpu.sem_alloc : memref<!tpu.dma_semaphore, #tpu.memory_space<semaphore_mem>>
          %dma_start3A = arith.constant 1840 : i32
          %dma_start3A_217 = tpu.memref_slice %arg11[%dma_start3A] : memref<2048xi32, #tpu.memory_space<vmem>> -> memref<208xi32, #tpu.memory_space<vmem>>
          %dma_start3A_218 = tpu.memref_slice %arg18[%mul3A_212] : memref<8192xi32, #tpu.memory_space<vmem_shared>> -> memref<208xi32, #tpu.memory_space<vmem_shared>>
          %dma_start3A_219 = tpu.memref_slice %arg18[%mul3A_212] : memref<8192xi32, #tpu.memory_space<vmem_shared>> -> memref<208xi32, #tpu.memory_space<vmem_shared>>
          %dma_start3A_220 = arith.constant 1840 : i32
          %dma_start3A_221 = tpu.memref_slice %arg11[%dma_start3A_220] : memref<2048xi32, #tpu.memory_space<vmem>> -> memref<208xi32, #tpu.memory_space<vmem>>
          tpu.enqueue_dma source(%dma_start3A_221 : memref<208xi32, #tpu.memory_space<vmem>>) target(%dma_start3A_219 : memref<208xi32, #tpu.memory_space<vmem_shared>>) target_semaphore(%run_scoped3A : memref<!tpu.dma_semaphore, #tpu.memory_space<semaphore_mem>>)
          %dma_wait3A = arith.constant 1840 : i32
          %dma_wait3A_222 = tpu.memref_slice %arg11[%dma_wait3A] : memref<2048xi32, #tpu.memory_space<vmem>> -> memref<208xi32, #tpu.memory_space<vmem>>
          %dma_wait3A_223 = tpu.memref_slice %arg18[%mul3A_212] : memref<8192xi32, #tpu.memory_space<vmem_shared>> -> memref<208xi32, #tpu.memory_space<vmem_shared>>
          %dma_wait3A_224 = tpu.memref_slice %arg18[%mul3A_212] : memref<8192xi32, #tpu.memory_space<vmem_shared>> -> memref<208xi32, #tpu.memory_space<vmem_shared>>
          %dma_wait3A_225 = arith.constant 1840 : i32
          %dma_wait3A_226 = tpu.memref_slice %arg11[%dma_wait3A_225] : memref<2048xi32, #tpu.memory_space<vmem>> -> memref<208xi32, #tpu.memory_space<vmem>>
          tpu.wait_dma2 semaphore(%run_scoped3A : memref<!tpu.dma_semaphore, #tpu.memory_space<semaphore_mem>>) src(%dma_wait3A_226 : memref<208xi32, #tpu.memory_space<vmem>>) dst(%dma_wait3A_224 : memref<208xi32, #tpu.memory_space<vmem_shared>>)
          tpu.yield
        }) : () -> ()
        %mul3A_213 = arith.constant 1024 : i32
        %mul3A_214 = arith.muli %shift_right_arithmetic3A_0, %mul3A_213 : i32
        %add3A_215 = arith.constant 256 : i32
        %add3A_216 = arith.addi %mul3A_214, %add3A_215 : i32
        "tpu.region"() ({
          %run_scoped3A = tpu.sem_alloc : memref<!tpu.dma_semaphore, #tpu.memory_space<semaphore_mem>>
          %dma_start3A = arith.constant 1840 : i32
          %dma_start3A_217 = tpu.memref_slice %arg12[%dma_start3A] : memref<2048xi32, #tpu.memory_space<vmem>> -> memref<208xi32, #tpu.memory_space<vmem>>
          %dma_start3A_218 = tpu.memref_slice %arg18[%add3A_216] : memref<8192xi32, #tpu.memory_space<vmem_shared>> -> memref<208xi32, #tpu.memory_space<vmem_shared>>
          %dma_start3A_219 = tpu.memref_slice %arg18[%add3A_216] : memref<8192xi32, #tpu.memory_space<vmem_shared>> -> memref<208xi32, #tpu.memory_space<vmem_shared>>
          %dma_start3A_220 = arith.constant 1840 : i32
          %dma_start3A_221 = tpu.memref_slice %arg12[%dma_start3A_220] : memref<2048xi32, #tpu.memory_space<vmem>> -> memref<208xi32, #tpu.memory_space<vmem>>
          tpu.enqueue_dma source(%dma_start3A_221 : memref<208xi32, #tpu.memory_space<vmem>>) target(%dma_start3A_219 : memref<208xi32, #tpu.memory_space<vmem_shared>>) target_semaphore(%run_scoped3A : memref<!tpu.dma_semaphore, #tpu.memory_space<semaphore_mem>>)
          %dma_wait3A = arith.constant 1840 : i32
          %dma_wait3A_222 = tpu.memref_slice %arg12[%dma_wait3A] : memref<2048xi32, #tpu.memory_space<vmem>> -> memref<208xi32, #tpu.memory_space<vmem>>
          %dma_wait3A_223 = tpu.memref_slice %arg18[%add3A_216] : memref<8192xi32, #tpu.memory_space<vmem_shared>> -> memref<208xi32, #tpu.memory_space<vmem_shared>>
          %dma_wait3A_224 = tpu.memref_slice %arg18[%add3A_216] : memref<8192xi32, #tpu.memory_space<vmem_shared>> -> memref<208xi32, #tpu.memory_space<vmem_shared>>
          %dma_wait3A_225 = arith.constant 1840 : i32
          %dma_wait3A_226 = tpu.memref_slice %arg12[%dma_wait3A_225] : memref<2048xi32, #tpu.memory_space<vmem>> -> memref<208xi32, #tpu.memory_space<vmem>>
          tpu.wait_dma2 semaphore(%run_scoped3A : memref<!tpu.dma_semaphore, #tpu.memory_space<semaphore_mem>>) src(%dma_wait3A_226 : memref<208xi32, #tpu.memory_space<vmem>>) dst(%dma_wait3A_224 : memref<208xi32, #tpu.memory_space<vmem_shared>>)
          tpu.yield
        }) : () -> ()
      } else {
      }
    } else {
    }
    %barrier3A = arith.constant 0 : index
    tpu.barrier barrier_id(%barrier3A)
    %eq3A = arith.constant 0 : i32
    %eq3A_4 = arith.cmpi eq, %and3A_1, %eq3A : i32
    %and3A_5 = arith.andi %lt3A_2, %eq3A_4 : i1
    %convert_element_type3A_6 = arith.extui %and3A_5 : i1 to i32
    %cond3A_7 = arith.constant 0 : i32
    %cond3A_8 = arith.cmpi ne, %convert_element_type3A_6, %cond3A_7 : i32
    scf.if %cond3A_8 {
      %mul3A = arith.constant 1024 : i32
      %mul3A_9 = arith.muli %shift_right_arithmetic3A_0, %mul3A : i32
      "tpu.region"() ({
        %run_scoped3A = tpu.sem_alloc : memref<!tpu.dma_semaphore, #tpu.memory_space<semaphore_mem>>
        %dma_start3A = tpu.memref_slice %arg18[%mul3A_9] : memref<8192xi32, #tpu.memory_space<vmem_shared>> -> memref<208xi32, #tpu.memory_space<vmem_shared>>
        %dma_start3A_24 = tpu.memref_slice %arg18[%mul3A_9] : memref<8192xi32, #tpu.memory_space<vmem_shared>> -> memref<208xi32, #tpu.memory_space<vmem_shared>>
        tpu.enqueue_dma source(%dma_start3A_24 : memref<208xi32, #tpu.memory_space<vmem_shared>>) target(%arg15 : memref<208xi32, #tpu.memory_space<vmem>>) target_semaphore(%run_scoped3A : memref<!tpu.dma_semaphore, #tpu.memory_space<semaphore_mem>>)
        %dma_wait3A = tpu.memref_slice %arg18[%mul3A_9] : memref<8192xi32, #tpu.memory_space<vmem_shared>> -> memref<208xi32, #tpu.memory_space<vmem_shared>>
        %dma_wait3A_25 = tpu.memref_slice %arg18[%mul3A_9] : memref<8192xi32, #tpu.memory_space<vmem_shared>> -> memref<208xi32, #tpu.memory_space<vmem_shared>>
        tpu.wait_dma2 semaphore(%run_scoped3A : memref<!tpu.dma_semaphore, #tpu.memory_space<semaphore_mem>>) src(%dma_wait3A_25 : memref<208xi32, #tpu.memory_space<vmem_shared>>) dst(%arg15 : memref<208xi32, #tpu.memory_space<vmem>>)
        tpu.yield
      }) : () -> ()
      %mul3A_10 = arith.constant 1024 : i32
      %mul3A_11 = arith.muli %shift_right_arithmetic3A_0, %mul3A_10 : i32
      %add3A = arith.constant 256 : i32
      %add3A_12 = arith.addi %mul3A_11, %add3A : i32
      "tpu.region"() ({
        %run_scoped3A = tpu.sem_alloc : memref<!tpu.dma_semaphore, #tpu.memory_space<semaphore_mem>>
        %dma_start3A = tpu.memref_slice %arg18[%add3A_12] : memref<8192xi32, #tpu.memory_space<vmem_shared>> -> memref<208xi32, #tpu.memory_space<vmem_shared>>
        %dma_start3A_24 = tpu.memref_slice %arg18[%add3A_12] : memref<8192xi32, #tpu.memory_space<vmem_shared>> -> memref<208xi32, #tpu.memory_space<vmem_shared>>
        tpu.enqueue_dma source(%dma_start3A_24 : memref<208xi32, #tpu.memory_space<vmem_shared>>) target(%arg16 : memref<208xi32, #tpu.memory_space<vmem>>) target_semaphore(%run_scoped3A : memref<!tpu.dma_semaphore, #tpu.memory_space<semaphore_mem>>)
        %dma_wait3A = tpu.memref_slice %arg18[%add3A_12] : memref<8192xi32, #tpu.memory_space<vmem_shared>> -> memref<208xi32, #tpu.memory_space<vmem_shared>>
        %dma_wait3A_25 = tpu.memref_slice %arg18[%add3A_12] : memref<8192xi32, #tpu.memory_space<vmem_shared>> -> memref<208xi32, #tpu.memory_space<vmem_shared>>
        tpu.wait_dma2 semaphore(%run_scoped3A : memref<!tpu.dma_semaphore, #tpu.memory_space<semaphore_mem>>) src(%dma_wait3A_25 : memref<208xi32, #tpu.memory_space<vmem_shared>>) dst(%arg16 : memref<208xi32, #tpu.memory_space<vmem>>)
        tpu.yield
      }) : () -> ()
      %broadcast_in_dim3A = arith.constant 1065353216 : i32
      %broadcast_in_dim3A_13 = vector.broadcast %broadcast_in_dim3A : i32 to vector<16xi32>
      %scan3A = arith.constant 0 : i32
      %scan3A_14 = arith.constant 13 : i32
      %scan3A_15 = arith.addi %scan3A, %scan3A_14 : i32
      %scan3A_16 = arith.constant 1 : i32
      scf.for %scan3A_24 = %scan3A to %scan3A_15 step %scan3A_16  : i32 {
        %mul3A_25 = arith.constant 1 : i32
        %mul3A_26 = arith.muli %scan3A_24, %mul3A_25 : i32
        %add3A_27 = arith.constant 0 : i32
        %add3A_28 = arith.addi %add3A_27, %mul3A_26 : i32
        %mul3A_29 = arith.constant 16 : i32
        %mul3A_30 = arith.muli %add3A_28, %mul3A_29 : i32
        %add3A_31 = arith.constant 1840 : i32
        %add3A_32 = arith.addi %add3A_31, %mul3A_30 : i32
        %get3A = arith.index_cast %add3A_32 : i32 to index
        %get3A_33 = tpu.vector_load %arg11[%get3A] {strides = array<i32>} : memref<2048xi32, #tpu.memory_space<vmem>>, vector<16xi32>,
        %get3A_34 = arith.index_cast %add3A_32 : i32 to index
        %get3A_35 = tpu.vector_load %arg12[%get3A_34] {strides = array<i32>} : memref<2048xi32, #tpu.memory_space<vmem>>, vector<16xi32>,
        %mul3A_36 = arith.constant 16 : i32
        %mul3A_37 = arith.muli %add3A_28, %mul3A_36 : i32
        %get3A_38 = arith.index_cast %mul3A_37 : i32 to index
        %get3A_39 = tpu.vector_load %arg15[%get3A_38] {strides = array<i32>} : memref<208xi32, #tpu.memory_space<vmem>>, vector<16xi32>,
        %mul3A_40 = arith.constant 16 : i32
        %mul3A_41 = arith.muli %add3A_28, %mul3A_40 : i32
        %get3A_42 = arith.index_cast %mul3A_41 : i32 to index
        %get3A_43 = tpu.vector_load %arg16[%get3A_42] {strides = array<i32>} : memref<208xi32, #tpu.memory_space<vmem>>, vector<16xi32>,
        %add3A_44 = vector.broadcast %add3A_32 : i32 to vector<16xi32>
        %add3A_45 = arith.addi %iota3A, %add3A_44 : vector<16xi32>
        %ge3A = arith.constant 1844 : i32
        %ge3A_46 = vector.broadcast %ge3A : i32 to vector<16xi32>
        %ge3A_47 = arith.cmpi sge, %add3A_45, %ge3A_46 : vector<16xi32>
        %sub3A = arith.subi %broadcast_in_dim3A_13, %get3A_33 : vector<16xi32>
        %gt3A = arith.cmpi sgt, %get3A_39, %sub3A : vector<16xi32>
        %and3A_48 = arith.andi %ge3A_47, %gt3A : vector<16xi1>
        %add3A_49 = arith.constant 2048 : i32
        %add3A_50 = vector.broadcast %add3A_49 : i32 to vector<16xi32>
        %add3A_51 = arith.addi %get3A_43, %add3A_50 : vector<16xi32>
        %select_n3A = arith.select %and3A_48, %add3A_51, %get3A_35 : vector<16xi1>, vector<16xi32>
        %mul3A_52 = arith.constant 16 : i32
        %mul3A_53 = arith.muli %add3A_28, %mul3A_52 : i32
        %swap3A = arith.index_cast %mul3A_53 : i32 to index
        %swap3A_54 = tpu.vector_load %arg17[%swap3A] {strides = array<i32>} : memref<208xi32, #tpu.memory_space<vmem>>, vector<16xi32>,
        tpu.vector_store %arg17[%swap3A], %select_n3A {strides = array<i32>} : memref<208xi32, #tpu.memory_space<vmem>>, vector<16xi32>,
      }
      %scan3A_17 = arith.constant 13 : i32
      %mul3A_18 = arith.constant 2048 : i32
      %mul3A_19 = arith.muli %shift_right_arithmetic3A_0, %mul3A_18 : i32
      "tpu.region"() ({
        %run_scoped3A = tpu.sem_alloc : memref<!tpu.dma_semaphore, #tpu.memory_space<semaphore_mem>>
        %dma_start3A = arith.constant 0 : i32
        %dma_start3A_24 = tpu.memref_slice %arg12[%dma_start3A] : memref<2048xi32, #tpu.memory_space<vmem>> -> memref<1840xi32, #tpu.memory_space<vmem>>
        %dma_start3A_25 = tpu.memref_slice %arg5[%mul3A_19] : memref<16384xi32, #tpu.memory_space<hbm>> -> memref<1840xi32, #tpu.memory_space<hbm>>
        %dma_start3A_26 = tpu.memref_slice %arg5[%mul3A_19] : memref<16384xi32, #tpu.memory_space<hbm>> -> memref<1840xi32, #tpu.memory_space<hbm>>
        %dma_start3A_27 = arith.constant 0 : i32
        %dma_start3A_28 = tpu.memref_slice %arg12[%dma_start3A_27] : memref<2048xi32, #tpu.memory_space<vmem>> -> memref<1840xi32, #tpu.memory_space<vmem>>
        tpu.enqueue_dma source(%dma_start3A_28 : memref<1840xi32, #tpu.memory_space<vmem>>) target(%dma_start3A_26 : memref<1840xi32, #tpu.memory_space<hbm>>) target_semaphore(%run_scoped3A : memref<!tpu.dma_semaphore, #tpu.memory_space<semaphore_mem>>)
        %dma_wait3A = arith.constant 0 : i32
        %dma_wait3A_29 = tpu.memref_slice %arg12[%dma_wait3A] : memref<2048xi32, #tpu.memory_space<vmem>> -> memref<1840xi32, #tpu.memory_space<vmem>>
        %dma_wait3A_30 = tpu.memref_slice %arg5[%mul3A_19] : memref<16384xi32, #tpu.memory_space<hbm>> -> memref<1840xi32, #tpu.memory_space<hbm>>
        %dma_wait3A_31 = tpu.memref_slice %arg5[%mul3A_19] : memref<16384xi32, #tpu.memory_space<hbm>> -> memref<1840xi32, #tpu.memory_space<hbm>>
        %dma_wait3A_32 = arith.constant 0 : i32
        %dma_wait3A_33 = tpu.memref_slice %arg12[%dma_wait3A_32] : memref<2048xi32, #tpu.memory_space<vmem>> -> memref<1840xi32, #tpu.memory_space<vmem>>
        tpu.wait_dma2 semaphore(%run_scoped3A : memref<!tpu.dma_semaphore, #tpu.memory_space<semaphore_mem>>) src(%dma_wait3A_33 : memref<1840xi32, #tpu.memory_space<vmem>>) dst(%dma_wait3A_31 : memref<1840xi32, #tpu.memory_space<hbm>>)
        tpu.yield
      }) : () -> ()
      %mul3A_20 = arith.constant 2048 : i32
      %mul3A_21 = arith.muli %shift_right_arithmetic3A_0, %mul3A_20 : i32
      %add3A_22 = arith.constant 1840 : i32
      %add3A_23 = arith.addi %mul3A_21, %add3A_22 : i32
      "tpu.region"() ({
        %run_scoped3A = tpu.sem_alloc : memref<!tpu.dma_semaphore, #tpu.memory_space<semaphore_mem>>
        %dma_start3A = tpu.memref_slice %arg5[%add3A_23] : memref<16384xi32, #tpu.memory_space<hbm>> -> memref<208xi32, #tpu.memory_space<hbm>>
        %dma_start3A_24 = tpu.memref_slice %arg5[%add3A_23] : memref<16384xi32, #tpu.memory_space<hbm>> -> memref<208xi32, #tpu.memory_space<hbm>>
        tpu.enqueue_dma source(%arg17 : memref<208xi32, #tpu.memory_space<vmem>>) target(%dma_start3A_24 : memref<208xi32, #tpu.memory_space<hbm>>) target_semaphore(%run_scoped3A : memref<!tpu.dma_semaphore, #tpu.memory_space<semaphore_mem>>)
        %dma_wait3A = tpu.memref_slice %arg5[%add3A_23] : memref<16384xi32, #tpu.memory_space<hbm>> -> memref<208xi32, #tpu.memory_space<hbm>>
        %dma_wait3A_25 = tpu.memref_slice %arg5[%add3A_23] : memref<16384xi32, #tpu.memory_space<hbm>> -> memref<208xi32, #tpu.memory_space<hbm>>
        tpu.wait_dma2 semaphore(%run_scoped3A : memref<!tpu.dma_semaphore, #tpu.memory_space<semaphore_mem>>) src(%arg17 : memref<208xi32, #tpu.memory_space<vmem>>) dst(%dma_wait3A_25 : memref<208xi32, #tpu.memory_space<hbm>>)
        tpu.yield
      }) : () -> ()
    } else {
    }
    return
  }
}

</mosaic_0001>

<sc_bundles>
// kernel: kernel.3.cloned.1.call-start
scs
__scs_entry_jumppad:
0x0: {  	(pc) =	sbr.rel $0x88, $3  }
0x1: {  	(tag) =	ssettag $0x0;
	lr =	simm.s32 $0x1  }
0x2: {  	[smem:$0x3F9F] =	sst lr;
	_ =	strace $0xD0000000  }
0x3: {  	_ = 	snop  }
0x4: {  	_ = 	snop  }
0x5: {  	_ = 	snop  }
0x6: {  	_ = 	snop  }
0x7: {  	_ = 	snop  }
__scs_overlays_trampoline_lowered:
0x8: {  	[smem:$0x3FAE] =	sst s0  }
0x9: {  	[smem:$0x3FAF] =	sst s1  }
0xa: {  	[smem:$0x3FB0] =	sst s2  }
0xb: {  	[smem:$0x3FB1] =	sst s3  }
0xc: {  	[smem:$0x3FB2] =	sst s4  }
0xd: {  	[smem:$0x3FB3] =	sst s5  }
0xe: {  	[smem:$0x3FB4] =	sst s6  }
0xf: {  	[smem:$0x3FB5] =	sst s7  }
0x10: {  	[smem:$0x3FB6] =	sst s8  }
0x11: {  	[smem:$0x3FB7] =	sst s9;
	s0 =	simm.s32 @!p0 $0x0  }
0x12: {  	s1 =	sld [smem:$0x3F9D];
	s0 =	simm.s32 @p0 $0x1  }
0x13: {  	[smem:$0x3FB8] =	sst s0;
	s0 =	simm.s32 @!p1 $0x0  }
0x14: {  	s2 =	sld [smem:$0x3F9C];
	s0 =	simm.s32 @p1 $0x1  }
0x15: {  	[smem:$0x3FB9] =	sst s0;
	s0 =	simm.s32 @!p2 $0x0  }
0x16: {  	s3 =	sld [smem:$0x3FDB];
	s0 =	simm.s32 @p2 $0x1  }
0x17: {  	s4 =	simm.s32 $0x1BF5;
	[smem:$0x3FBB] =	sst s0  }
0x18: {  	s0 =	sld [smem:$0x3F9E];
	_ =	swait.ge [sflag:s4], $0x0  }
0x19: {  	s7 =	sld [smem:$0x3F9F]  }
0x1a: {  	s8 =	sadd.s32 $0xFFFFE003, lr  }
0x1b: {  	s9 =	sadd.s32 $0xFFFFFEF7, lr;
	s5 =	simm.s32 $0xFFFFFFFF;
	p2 =	slt.u32 s8, $0xFFFFF086  }
0x1c: {  	p1 =	slt.u32 s9, $0xF7A;
	s5 =	simm.s32 @!p2 $0x0  }
0x1d: {  	s5 =	simm.s32 @p1 $0x1;
	p0 =	seq.s32 s7, s2  }
0x1e: {  	s7 =	smul.u32 @!p0 $0xF7A, s2;
	p2 =	seq.s32 @!p0 s5, $0x0  }
0x1f: {  	s9 =	smul.u32 $0xF7A, s1;
	s8 =	simm.s32 @!p0 $0x1BF5;
	p2 =	por !p2, p0  }
0x20: {  	[sflag:s8] =	ssyncset.s32 @!p0 $0xFFFFF086;
	s6 =	sadd.s32 @!p0 s3, s7;
	s7 =	simm.s32 @!p0 $0x108  }
0x21: {  	s3 =	sadd.s32 s3, s9;
	s6 =	sadd.s32 @!p0 $0x88, s6;
	s7 =	simm.s32 @p2 $0x1082  }
0x22: {  	[simem:s7], [sflag:s8] =	dma.local @!p0 [hbm:s6], $0xF7A  }
0x23: {  	s9 =	sor.u32 $0xD0000000, s2;
	s6 =	simm.s32 $0x108;
	_ =	swait.ge @!p0 [sflag:s8], $0x0  }
0x24: {  	s3 =	sadd.s32 $0x88, s3;
	s6 =	simm.s32 @!p1 $0x1082;
	[sflag:s4] =	ssyncset.s32 $0xFFFFF086  }
0x25: {  	[simem:s6], [sflag:s4] =	dma.local [hbm:s3], $0xF7A  }
0x26: {  	[smem:$0x3F9F] =	sst s1;
	(tag) =	ssettag s2;
	_ =	strace s9  }
0x27: {  	s1 =	sld [smem:$0x3FAF]  }
0x28: {  	s2 =	sld [smem:$0x3FB0]  }
0x29: {  	s4 =	sld [smem:$0x3FB2]  }
0x2a: {  	p0 =	seq.s32 s5, $0x0;
	s5 =	sld [smem:$0x3FB3]  }
0x2b: {  	s6 =	sld [smem:$0x3FB4]  }
0x2c: {  	s7 =	sld [smem:$0x3FB5]  }
0x2d: {  	s3 =	simm.s32 $0x108;
	s8 =	sld [smem:$0x3FB6]  }
0x2e: {  	s3 =	simm.s32 @!p0 $0x1082;
	s9 =	sld [smem:$0x3FB7]  }
0x2f: {  	lr =	sadd.s32 s0, s3;
	s0 =	sld [smem:$0x3FAE]  }
0x30: {  	s3 =	sld [smem:$0x3FB1]  }
0x31: {  	[smem:$0x3FBA] =	sst s10  }
0x32: {  	s10 =	sld [smem:$0x3FB8];
	_ =	sdelay $0x3  }
0x33: {  	p0 =	seq.s32 s10, $0x1;
	s10 =	sld [smem:$0x3FBA];
	_ =	sdelay $0x3  }
0x34: {  	[smem:$0x3FBA] =	sst s10  }
0x35: {  	s10 =	sld [smem:$0x3FB9];
	_ =	sdelay $0x3  }
0x36: {  	p1 =	seq.s32 s10, $0x1;
	s10 =	sld [smem:$0x3FBA];
	_ =	sdelay $0x3  }
0x37: {  	[smem:$0x3FBA] =	sst s10  }
0x38: {  	s10 =	sld [smem:$0x3FBB]  }
0x39: {  	_ = 	snop;
	(pc) =	sbr.ind lr, $3  }
0x3a: {  	_ = 	snop  }
0x3b: {  	_ = 	snop  }
0x3c: {  	p2 =	seq.s32 s10, $0x1;
	s10 =	sld [smem:$0x3FBA]  }
0x3d: {  	_ =	shalt  }
0x3e: {  	_ =	shalt  }
0x3f: {  	_ =	shalt  }
0x40: {  	_ =	shalt  }
0x41: {  	_ =	shalt  }
0x42: {  	_ =	shalt  }
0x43: {  	_ =	shalt  }
0x44: {  	_ =	shalt  }
0x45: {  	_ =	shalt  }
0x46: {  	_ =	shalt  }
0x47: {  	_ =	shalt  }
0x48: {  	_ =	shalt  }
0x49: {  	_ =	shalt  }
0x4a: {  	_ =	shalt  }
0x4b: {  	_ =	shalt  }
0x4c: {  	_ =	shalt  }
0x4d: {  	_ =	shalt  }
0x4e: {  	_ =	shalt  }
0x4f: {  	_ =	shalt  }
0x50: {  	_ =	shalt  }
0x51: {  	_ =	shalt  }
0x52: {  	_ =	shalt  }
0x53: {  	_ =	shalt  }
0x54: {  	_ =	shalt  }
0x55: {  	_ =	shalt  }
0x56: {  	_ =	shalt  }
0x57: {  	_ =	shalt  }
0x58: {  	_ =	shalt  }
0x59: {  	_ =	shalt  }
0x5a: {  	_ =	shalt  }
0x5b: {  	_ =	shalt  }
0x5c: {  	_ =	shalt  }
0x5d: {  	_ =	shalt  }
0x5e: {  	_ =	shalt  }
0x5f: {  	_ =	shalt  }
0x60: {  	_ =	shalt  }
0x61: {  	_ =	shalt  }
0x62: {  	_ =	shalt  }
0x63: {  	_ =	shalt  }
0x64: {  	_ =	shalt  }
0x65: {  	_ =	shalt  }
0x66: {  	_ =	shalt  }
0x67: {  	_ =	shalt  }
0x68: {  	_ =	shalt  }
0x69: {  	_ =	shalt  }
0x6a: {  	_ =	shalt  }
0x6b: {  	_ =	shalt  }
0x6c: {  	_ =	shalt  }
0x6d: {  	_ =	shalt  }
0x6e: {  	_ =	shalt  }
0x6f: {  	_ =	shalt  }
0x70: {  	_ =	shalt  }
0x71: {  	_ =	shalt  }
0x72: {  	_ =	shalt  }
0x73: {  	_ =	shalt  }
0x74: {  	_ =	shalt  }
0x75: {  	_ =	shalt  }
0x76: {  	_ =	shalt  }
0x77: {  	_ =	shalt  }
0x78: {  	_ =	shalt  }
0x79: {  	_ =	shalt  }
0x7a: {  	_ =	shalt  }
0x7b: {  	_ =	shalt  }
0x7c: {  	_ =	shalt  }
0x7d: {  	_ =	shalt  }
0x7e: {  	_ =	shalt  }
0x7f: {  	_ =	shalt  }
0x80: {  	_ =	shalt  }
0x81: {  	_ =	shalt  }
0x82: {  	_ =	shalt  }
0x83: {  	_ =	shalt  }
0x84: {  	_ =	shalt  }
0x85: {  	_ =	shalt  }
0x86: {  	_ =	shalt  }
0x87: {  	_ =	shalt  }
.Lfunc_end0:
.L_simem_size_0:
called_computation_lowered:
.L_overlay_start_0:
0x88: {  	s0 =	sld [smem:$0x3FD9]  }
0x89: {  	s1 =	sld [smem:$0x3FFE];
	_ =	sdelay $0x3  }
0x8a: {  	s0 =	sadd.s32 s1, s0  }
0x8b: {  	[smem:$0x3FC6] =	sst s0  }
0x8c: {  	_ = 	snop  }
0x8d: {  	s0 =	sld [smem:$0x3FD0];
	(tm) =	ssettm $0x1  }
0x8e: {  	s16 =	sld [smem:$0x3FFB];
	_ =	sdelay $0x3  }
0x8f: {  	_ =	strace s16  }
0x90: {  	s1 =	sld [smem:$0x3FFC];
	_ =	sdelay $0x3  }
0x91: {  	_ =	strace s1  }
0x92: {  	s1 =	sld [smem:$0x3FFD];
	_ =	sdelay $0x3  }
0x93: {  	_ =	strace s1  }
0x94: {  	_ =	strace $0x8FFFFFFF  }
0x95: {  	s17 =	sld [smem:$0x3FDB];
	_ =	sdelay $0x1  }
0x96: {  	s2 =	simm.s32 $_scs_section_size  }
0x97: {  	s3 =	simm.s32 $_size__tile_overlayer_lowered;
	s4 =	simm.s32 $_tile_overlayer_lowered  }
0x98: {  	s20 =	simm.s32 $0x1BFF;
	s19 =	sshll.u32 s4, $0x1;
	s1 =	sadd.s32 s2, s17  }
0x99: {  	s5 =	simm.s32 $0x0;
	s18 =	sshll.u32 s3, $0x1;
	s3 =	sadd.s32 s19, s1  }
0x9a: {  	[timem:s5], [sflag:s20] =	dma.local [hbm:s3], s18  }
0x9b: {  	_ =	swait.ge [sflag:s20], s18  }
0x9c: {  	s2 =	ssub.s32 $0x0, s18;
	[sflag:s20] =	ssyncset.done $0x0  }
0x9d: {  	[sflag:s20] =	ssyncadd.s32 s2;
	_ =	sdelay $0x1  }
0x9e: {  	s21 =	simm.s32 $0x1B8B  }
0x9f: {  	_ =	swait.ge [sflag:s21], $0x1  }
0xa0: {  	[sflag:s21] =	ssyncset.done $0x0  }
0xa1: {  	s23 =	simm.s32 $0x1B8E;
	s22 =	sld [smem:$0x3FFE];
	[sflag:s21] =	ssyncadd.s32 $0xFFFFFFFF  }
0xa2: {  	s24 =	simm.s32 $execute0_lowered;
	[smem:$0x3FD2] =	sst s23  }
0xa3: {  	s3 =	sshll.u32 s24, $0x1;
	_ =	strace $0x80000046;
	[dreg:$0x1] =	wrdreg $0xFFFFFFFF  }
0xa4: {  	s25 =	simm.s32 $_size_execute0_lowered;
	s1 =	sadd.s32 s1, s3;
	[dreg:$0x0] =	wrdreg $0x0  }
0xa5: {  	s3 =	sshll.u32 s25, $0x1;
	[dreg:$0x2] =	wrdreg s1  }
0xa6: {  	[dreg:$0x3] =	wrdreg s3  }
0xa7: {  	[dreg:$0x4] =	wrdreg $0xC0  }
0xa8: {  	_ =	task [dreg:s5], $0x5FFFF  }
0xa9: {  	[dreg:$0x1] =	wrdreg $0xFFFFFFFF  }
0xaa: {  	[dreg:$0x0] =	wrdreg $0x60  }
0xab: {  	[dreg:$0x2] =	wrdreg s22  }
0xac: {  	[dreg:$0x3] =	wrdreg s0  }
0xad: {  	[dreg:$0x4] =	wrdreg $0x4B000  }
0xae: {  	[dreg:$0x5] =	wrdreg $0x9  }
0xaf: {  	_ =	task.clear_ibuf [dreg:s5], $0x6FFFF;
	_ =	strace $0x90000046  }
0xb0: {  	s26 =	simm.s32 $0x9;
	_ =	strace $0x80000048  }
0xb1: {  	_ =	swait.ge [sflag:s26], $0x1  }
0xb2: {  	[sflag:s26] =	ssyncadd.s32 $0xFFFFFFFF  }
0xb3: {  	_ =	strace $0x90000048  }
0xb4: {  	_ =	sfence  }
0xb5: {  	s28 =	sld [smem:$0x0];
	_ =	sdelay $0x1  }
0xb6: {  	s29 =	srdreg.scid  }
0xb7: {  	s30 =	sshll.u32 s29, $0xD;
	s31 =	sshrl.u32 s29, $0x2  }
0xb8: {  	s2 =	sand.u32 $0x4000, s30;
	s1 =	sand.u32 $0x1, s29;
	s0 =	sadd.s32 s31, s28  }
0xb9: {  	s1 =	sor.u32 s2, s1;
	s0 =	sshll.u32 s0, $0x11  }
0xba: {  	s0 =	sor.u32 s0, s1  }
0xbb: {  	s0 =	sadd.s32 $0x8F2B, s0  }
0xbc: {  	[sflag:s0] =	ssyncadd.remote.s32 $0x1  }
0xbd: {  	_ =	sfence.sel $0xFFFF  }
0xbe: {  	[dreg:$0x0] =	wrdreg $0xFFFFFFFF;
	(pc) =	sbr.abs _section_cstart, $3  }
0xbf: {  	[dreg:$0x1] =	wrdreg $0xFFFFFFFF  }
0xc0: {  	_ =	task.clear_ibuf [dreg:s5], $0x2FFFF;
	_ =	strace $0x9FFFFFFF  }
0xc1: {  	(tm) =	ssettm $0x7FFFFFFF  }
tec
execute0_lowered:
.L_overlay_start_1:
0x0: {  	(tag) =	ssettag $0x1  }
0x1: {  	s4 =	rddreg [dreg:$0x0]  }
0x2: {  	s7 =	rddreg [dreg:$0x1]  }
0x3: {  	s3 =	rddreg [dreg:$0x2];
	s1 =	stileid.u32  }
0x4: {  	s0 =	rddreg [dreg:$0x3];
	s2 =	sshrl.u32 s1, $0x1;
	s6 =	sand.u32 $0x1, s1  }
0x5: {  	s8 =	simm.s32 $0x0;
	s5 =	sshll.u32 s2, $0x9;
	s9 =	sshll.u32 s6, $0x8  }
0x6: {  	[smem:$0x7FF] =	sst s8;
	s5 =	sor.u32 s9, s5  }
0x7: {  	s31 =	simm.s32 $0x1;
	_ =	strace $0x80000047;
	s5 =	sadd.s32 s4, s5  }
0x8: {  	[tilespmem:s8], [sflag:$0x1] =	stream.linear.gather [hbm4b:s5+s8], $0x800, $0x38;
	[tilespmem:$0x4D00] =	vst v63  }
0x9: {  	_ =	swait.ge [sflag:s31], $0x800  }
0xa: {  	[sflag:s31] =	ssyncset.done $0x0  }
0xb: {  	s10 =	simm.s32 $0x800;
	s5 =	sadd.s32 $0x1000, s5;
	[sflag:s31] =	ssyncadd.s32 $0xFFFFF800  }
0xc: {  	[tilespmem:s10], [sflag:$0x1] =	stream.linear.gather [hbm4b:s5+s8], $0x800, $0x38;
	[tilespmem:$0x4D00] =	vst v63  }
0xd: {  	_ =	swait.ge [sflag:s31], $0x800  }
0xe: {  	[sflag:s31] =	ssyncset.done $0x0  }
0xf: {  	s5 =	simm.s32 $0x1000;
	[sflag:s31] =	ssyncadd.s32 $0xFFFFF800  }
0x10: {  	[tilespmem:s5], [sflag:$0x1] =	stream.linear.gather [hbm4b:s7+s8], $0x1000, $0x38;
	[tilespmem:$0x4D00] =	vst v63  }
0x11: {  	_ =	swait.ge [sflag:s31], $0x1000  }
0x12: {  	[sflag:s31] =	ssyncset.done $0x0  }
0x13: {  	v0 =	vimm.s32 $0x0;
	[sflag:s31] =	ssyncadd.s32 $0xFFFFF000  }
0x14: {  	[tilespmem:$0x4000] =	vst v0  }
0x15: {  	[tilespmem:$0x4010] =	vst v0  }
0x16: {  	[tilespmem:$0x4020] =	vst v0  }
0x17: {  	[tilespmem:$0x4030] =	vst v0  }
0x18: {  	[tilespmem:$0x4040] =	vst v0  }
0x19: {  	[tilespmem:$0x4050] =	vst v0  }
0x1a: {  	[tilespmem:$0x4060] =	vst v0  }
0x1b: {  	[tilespmem:$0x4070] =	vst v0  }
0x1c: {  	[tilespmem:$0x4080] =	vst v0  }
0x1d: {  	[tilespmem:$0x4090] =	vst v0  }
0x1e: {  	[tilespmem:$0x40A0] =	vst v0  }
0x1f: {  	[tilespmem:$0x40B0] =	vst v0  }
0x20: {  	[tilespmem:$0x40C0] =	vst v0  }
0x21: {  	[tilespmem:$0x40D0] =	vst v0  }
0x22: {  	[tilespmem:$0x40E0] =	vst v0  }
0x23: {  	[tilespmem:$0x40F0] =	vst v0  }
0x24: {  	[tilespmem:$0x4100] =	vst v0  }
0x25: {  	[tilespmem:$0x4110] =	vst v0  }
0x26: {  	[tilespmem:$0x4120] =	vst v0  }
0x27: {  	[tilespmem:$0x4130] =	vst v0  }
0x28: {  	[tilespmem:$0x4140] =	vst v0  }
0x29: {  	[tilespmem:$0x4150] =	vst v0  }
0x2a: {  	[tilespmem:$0x4160] =	vst v0  }
0x2b: {  	[tilespmem:$0x4170] =	vst v0  }
0x2c: {  	[tilespmem:$0x4180] =	vst v0  }
0x2d: {  	[tilespmem:$0x4190] =	vst v0  }
0x2e: {  	[tilespmem:$0x41A0] =	vst v0  }
0x2f: {  	[tilespmem:$0x41B0] =	vst v0  }
0x30: {  	[tilespmem:$0x41C0] =	vst v0  }
0x31: {  	[tilespmem:$0x41D0] =	vst v0  }
0x32: {  	[tilespmem:$0x41E0] =	vst v0  }
0x33: {  	[tilespmem:$0x41F0] =	vst v0  }
0x34: {  	[tilespmem:$0x4200] =	vst v0  }
0x35: {  	[tilespmem:$0x4210] =	vst v0  }
0x36: {  	[tilespmem:$0x4220] =	vst v0  }
0x37: {  	[tilespmem:$0x4230] =	vst v0  }
0x38: {  	[tilespmem:$0x4240] =	vst v0  }
0x39: {  	[tilespmem:$0x4250] =	vst v0  }
0x3a: {  	[tilespmem:$0x4260] =	vst v0  }
0x3b: {  	[tilespmem:$0x4270] =	vst v0  }
0x3c: {  	[tilespmem:$0x4280] =	vst v0  }
0x3d: {  	[tilespmem:$0x4290] =	vst v0  }
0x3e: {  	[tilespmem:$0x42A0] =	vst v0  }
0x3f: {  	[tilespmem:$0x42B0] =	vst v0  }
0x40: {  	[tilespmem:$0x42C0] =	vst v0  }
0x41: {  	[tilespmem:$0x42D0] =	vst v0  }
0x42: {  	[tilespmem:$0x42E0] =	vst v0  }
0x43: {  	[tilespmem:$0x42F0] =	vst v0  }
0x44: {  	[tilespmem:$0x4300] =	vst v0  }
0x45: {  	[tilespmem:$0x4310] =	vst v0  }
0x46: {  	[tilespmem:$0x4320] =	vst v0  }
0x47: {  	[tilespmem:$0x4330] =	vst v0  }
0x48: {  	[tilespmem:$0x4340] =	vst v0  }
0x49: {  	[tilespmem:$0x4350] =	vst v0  }
0x4a: {  	[tilespmem:$0x4360] =	vst v0  }
0x4b: {  	[tilespmem:$0x4370] =	vst v0  }
0x4c: {  	[tilespmem:$0x4380] =	vst v0  }
0x4d: {  	[tilespmem:$0x4390] =	vst v0  }
0x4e: {  	[tilespmem:$0x43A0] =	vst v0  }
0x4f: {  	[tilespmem:$0x43B0] =	vst v0  }
0x50: {  	[tilespmem:$0x43C0] =	vst v0  }
0x51: {  	p0 =	seq.s32 s6, $0x0;
	[tilespmem:$0x43D0] =	vst v0  }
0x52: {  	s6 =	simm.s32 $0xFFFFFFFC;
	s9 =	simm.s32 $0x820;
	s4 =	sadd.s32 $0x2000, s4;
	[tilespmem:$0x43E0] =	vst v0  }
0x53: {  	s10 =	simm.s32 $0x4000;
	s7 =	simm.s32 $0x2020;
	s8 =	simm.s32 $0x20;
	[tilespmem:$0x43F0] =	vst v0  }
.LBB2_1:
0x54: {  	v0 =	vld [tilespmem:s9+$0xFFFFFFE0];
	_ =	sdelay $0x6  }
0x55: {  	v1 =	vld [tilespmem:s8+$0xFFFFFFE0]  }
0x56: {  	v0 =	vld.idx.msk [tilespmem:v0+s5+$0x0], $0xffff;
	_ =	sdelay $0x4  }
0x57: {  	v0 =	vmul.f32 v1, v0;
	_ =	sdelay $0x1  }
0x58: {  	v1 =	vsub.s32 $0x3F800000, v0  }
0x59: {  	v0 =	vpsel p0, v1, v0  }
0x5a: {  	v1 =	vand.u32 $0x3FF, v0  }
0x5b: {  	(xrf1) =	vunique.msk.u32 $0xffff, v1;
	_ =	sdelay $0xd  }
0x5c: {  	_, v2, vm0 =	vpop (xrf1);
	_ =	sdelay $0x4  }
0x5d: {  	[tilespmem:s7+$0xFFFFFFE0] =	vst v0  }
0x5e: {  	[tilespmem:v1+s10+$0x0] =	vst.idx.add.s32.msk vm0, v2  }
0x5f: {  	v0 =	vld [tilespmem:s9+$0xFFFFFFF0];
	_ =	sdelay $0x6  }
0x60: {  	v1 =	vld [tilespmem:s8+$0xFFFFFFF0]  }
0x61: {  	v0 =	vld.idx.msk [tilespmem:v0+s5+$0x0], $0xffff;
	_ =	sdelay $0x4  }
0x62: {  	v0 =	vmul.f32 v1, v0;
	_ =	sdelay $0x1  }
0x63: {  	v1 =	vsub.s32 $0x3F800000, v0  }
0x64: {  	v0 =	vpsel p0, v1, v0  }
0x65: {  	v1 =	vand.u32 $0x3FF, v0  }
0x66: {  	(xrf1) =	vunique.msk.u32 $0xffff, v1;
	_ =	sdelay $0xd  }
0x67: {  	_, v2, vm0 =	vpop (xrf1);
	_ =	sdelay $0x4  }
0x68: {  	[tilespmem:s7+$0xFFFFFFF0] =	vst v0  }
0x69: {  	[tilespmem:v1+s10+$0x0] =	vst.idx.add.s32.msk vm0, v2  }
0x6a: {  	v0 =	vld [tilespmem:s9+$0x0];
	_ =	sdelay $0x6  }
0x6b: {  	v1 =	vld [tilespmem:s8+$0x0]  }
0x6c: {  	v0 =	vld.idx.msk [tilespmem:v0+s5+$0x0], $0xffff;
	_ =	sdelay $0x4  }
0x6d: {  	v0 =	vmul.f32 v1, v0;
	_ =	sdelay $0x1  }
0x6e: {  	v1 =	vsub.s32 $0x3F800000, v0  }
0x6f: {  	v0 =	vpsel p0, v1, v0  }
0x70: {  	v1 =	vand.u32 $0x3FF, v0  }
0x71: {  	(xrf1) =	vunique.msk.u32 $0xffff, v1;
	_ =	sdelay $0xd  }
0x72: {  	_, v2, vm0 =	vpop (xrf1);
	_ =	sdelay $0x4  }
0x73: {  	[tilespmem:s7+$0x0] =	vst v0  }
0x74: {  	[tilespmem:v1+s10+$0x0] =	vst.idx.add.s32.msk vm0, v2  }
0x75: {  	v0 =	vld [tilespmem:s9+$0x10];
	_ =	sdelay $0x6  }
0x76: {  	v1 =	vld [tilespmem:s8+$0x10]  }
0x77: {  	v0 =	vld.idx.msk [tilespmem:v0+s5+$0x0], $0xffff;
	_ =	sdelay $0x4  }
0x78: {  	v0 =	vmul.f32 v1, v0;
	_ =	sdelay $0x1  }
0x79: {  	v1 =	vsub.s32 $0x3F800000, v0  }
0x7a: {  	v0 =	vpsel p0, v1, v0  }
0x7b: {  	v1 =	vand.u32 $0x3FF, v0  }
0x7c: {  	(xrf1) =	vunique.msk.u32 $0xffff, v1;
	_ =	sdelay $0xd  }
0x7d: {  	s6 =	sadd.s32 $0x4, s6;
	_, v2, vm0 =	vpop (xrf1)  }
0x7e: {  	p1 =	slt.u32 s6, $0x7C  }
.Ltmp0:
0x7f: {  	_ = 	snop;
	(pc) =	sbr.rel @p1 .LBB2_1-.Ltmp0, $3  }
0x80: {  	_ =	sdelay $0x1  }
0x81: {  	[tilespmem:s7+$0x10] =	vst v0  }
0x82: {  	s8 =	sadd.s32 $0x40, s8;
	s9 =	sadd.s32 $0x40, s9;
	s7 =	sadd.s32 $0x40, s7;
	[tilespmem:v1+s10+$0x0] =	vst.idx.add.s32.msk vm0, v2  }
0x83: {  	s7 =	simm.s32 $0x0  }
0x84: {  	v1 =	vld [tilespmem:s7+$0x4000];
	_ =	sdelay $0x4  }
0x85: {  	(xrf0) =	vadd.scan.msk.s32 $0xffff, v1;
	_ =	sdelay $0x5  }
0x86: {  	v2, _, _ =	vpop (xrf0)  }
0x87: {  	s5 =	simm.s32 $0xFFFFFFFF;
	(v2sf) =	vpush v2, $0xF  }
0x88: {  	v0 =	vimm.s32 $0x0;
	v1 =	vsub.s32 s5, v1  }
0x89: {  	[tilespmem:s7+$0x4400] =	vst v0;
	v1 =	vadd.s32 v2, v1  }
0x8a: {  	s9 =	simm.s32 $0x10;
	s6 =	simm.s32 $0x80;
	[tilespmem:s7+$0x4000] =	vst v1  }
.LBB2_3:
0x8b: {  	p1 =	sne.s32 s6, $0xFC0;
	v1 =	vld [tilespmem:s9+$0x4000];
	[tilespmem:s9+$0x4400] =	vst v0;
	_ =	sdelay $0x4  }
0x8c: {  	(xrf0) =	vadd.scan.msk.s32 $0xffff, v1;
	_ =	sdelay $0x5  }
.Ltmp1:
0x8d: {  	v2, _, _ =	vpop (xrf0);
	s7 =	spop (v2sf);
	(pc) =	sbr.rel @p1 .LBB2_3-.Ltmp1, $4  }
0x8e: {  	(v2sf) =	vpush v2, $0xF;
	s5 =	sadd.s32 s5, s7  }
0x8f: {  	v1 =	vsub.s32 s5, v1  }
0x90: {  	v1 =	vadd.s32 v2, v1  }
0x91: {  	[tilespmem:s9+$0x4000] =	vst v1;
	s9 =	sshra.s32 s6, $0x2;
	s6 =	sadd.s32 $0x40, s6  }
0x92: {  	v1 =	vld [tilespmem:s9+$0x4000];
	_ =	sdelay $0x4  }
0x93: {  	(xrf0) =	vadd.scan.msk.s32 $0xffff, v1;
	_ =	sdelay $0x5  }
0x94: {  	v2, _, _ =	vpop (xrf0)  }
0x95: {  	(v2sf) =	vpush v2, $0xF;
	_ =	sdelay $0xa  }
0x96: {  	s6 =	spop (v2sf)  }
0x97: {  	s5 =	sadd.s32 s5, s6  }
0x98: {  	s7 =	simm.s32 $0x2020;
	s8 =	simm.s32 $0x4000;
	v1 =	vsub.s32 s5, v1  }
0x99: {  	[tilespmem:s9+$0x4400] =	vst v0;
	s10 =	simm.s32 $0x3800;
	s11 =	simm.s32 $0x4400;
	s6 =	simm.s32 $0x0;
	v0 =	vadd.s32 v2, v1  }
0x9a: {  	s5 =	simm.s32 $0xFFFFFFFC;
	[tilespmem:s9+$0x4000] =	vst v0;
	v0 =	vlaneseq.u32;
	s9 =	simm.s32 $0x3000;
	s31 =	spop (v2sf)  }
.LBB2_5:
0x9b: {  	v1 =	vld [tilespmem:s7+$0xFFFFFFE0];
	_ =	sdelay $0x4  }
0x9c: {  	v2 =	vand.u32 $0x3FF, v1  }
0x9d: {  	(xrf1) =	vunique.msk.u32 $0xffff, v2  }
0x9e: {  	v3 =	vshrl.u32 v1, $0xA  }
0x9f: {  	v3 =	vand.u32 $0x3FF, v3  }
0xa0: {  	(xrf1) =	vunique.msk.u32 $0xffff, v3;
	_ =	sdelay $0x6  }
0xa1: {  	v4 =	vld.idx.msk [tilespmem:v2+s8+$0x0], $0xffff;
	_ =	sdelay $0x3  }
0xa2: {  	_, v5, vm0 =	vpop (xrf1)  }
0xa3: {  	v4 =	vadd.s32 v4, v5;
	_ =	sdelay $0x1  }
0xa4: {  	_, v57, vm1 =	vpop (xrf1);
	_ =	sdelay $0x2  }
0xa5: {  	[tilespmem:v4+s9+$0x0] =	vst.idx.msk $0xffff, v1;
	v1 =	vor.u32 s6, v0  }
0xa6: {  	[tilespmem:v4+s10+$0x0] =	vst.idx.msk $0xffff, v1  }
0xa7: {  	[tilespmem:v2+s8+$0x0] =	vst.idx.msk vm0, v4  }
0xa8: {  	[tilespmem:v3+s11+$0x0] =	vst.idx.add.s32.msk vm1, v57  }
0xa9: {  	v1 =	vld [tilespmem:s7+$0xFFFFFFF0];
	_ =	sdelay $0x4  }
0xaa: {  	v2 =	vand.u32 $0x3FF, v1  }
0xab: {  	(xrf1) =	vunique.msk.u32 $0xffff, v2  }
0xac: {  	v3 =	vshrl.u32 v1, $0xA  }
0xad: {  	v3 =	vand.u32 $0x3FF, v3  }
0xae: {  	(xrf1) =	vunique.msk.u32 $0xffff, v3;
	_ =	sdelay $0x6  }
0xaf: {  	v4 =	vld.idx.msk [tilespmem:v2+s8+$0x0], $0xffff;
	_ =	sdelay $0x3  }
0xb0: {  	_, v58, vm10 =	vpop (xrf1)  }
0xb1: {  	v4 =	vadd.s32 v4, v58;
	_ =	sdelay $0x1  }
0xb2: {  	_, v59, vm11 =	vpop (xrf1);
	_ =	sdelay $0x1  }
0xb3: {  	s12 =	sadd.s32 $0x10, s6  }
0xb4: {  	[tilespmem:v4+s9+$0x0] =	vst.idx.msk $0xffff, v1;
	v1 =	vor.u32 s12, v0  }
0xb5: {  	[tilespmem:v4+s10+$0x0] =	vst.idx.msk $0xffff, v1  }
0xb6: {  	[tilespmem:v2+s8+$0x0] =	vst.idx.msk vm10, v4  }
0xb7: {  	[tilespmem:v3+s11+$0x0] =	vst.idx.add.s32.msk vm11, v59  }
0xb8: {  	v1 =	vld [tilespmem:s7+$0x0];
	_ =	sdelay $0x4  }
0xb9: {  	v2 =	vand.u32 $0x3FF, v1  }
0xba: {  	(xrf1) =	vunique.msk.u32 $0xffff, v2  }
0xbb: {  	v3 =	vshrl.u32 v1, $0xA  }
0xbc: {  	v3 =	vand.u32 $0x3FF, v3  }
0xbd: {  	(xrf1) =	vunique.msk.u32 $0xffff, v3;
	_ =	sdelay $0x6  }
0xbe: {  	v4 =	vld.idx.msk [tilespmem:v2+s8+$0x0], $0xffff;
	_ =	sdelay $0x3  }
0xbf: {  	_, v60, vm12 =	vpop (xrf1)  }
0xc0: {  	v4 =	vadd.s32 v4, v60;
	_ =	sdelay $0x1  }
0xc1: {  	_, v61, vm13 =	vpop (xrf1);
	_ =	sdelay $0x1  }
0xc2: {  	s30 =	sadd.s32 $0x20, s6  }
0xc3: {  	[tilespmem:v4+s9+$0x0] =	vst.idx.msk $0xffff, v1;
	v1 =	vor.u32 s30, v0  }
0xc4: {  	[tilespmem:v4+s10+$0x0] =	vst.idx.msk $0xffff, v1  }
0xc5: {  	[tilespmem:v2+s8+$0x0] =	vst.idx.msk vm12, v4  }
0xc6: {  	[tilespmem:v3+s11+$0x0] =	vst.idx.add.s32.msk vm13, v61  }
0xc7: {  	v1 =	vld [tilespmem:s7+$0x10];
	_ =	sdelay $0x4  }
0xc8: {  	v2 =	vand.u32 $0x3FF, v1  }
0xc9: {  	(xrf1) =	vunique.msk.u32 $0xffff, v2  }
0xca: {  	v3 =	vshrl.u32 v1, $0xA  }
0xcb: {  	v3 =	vand.u32 $0x3FF, v3  }
0xcc: {  	(xrf1) =	vunique.msk.u32 $0xffff, v3;
	_ =	sdelay $0x6  }
0xcd: {  	v4 =	vld.idx.msk [tilespmem:v2+s8+$0x0], $0xffff;
	_ =	sdelay $0x3  }
0xce: {  	_, v62, vm14 =	vpop (xrf1)  }
0xcf: {  	v4 =	vadd.s32 v4, v62;
	_ =	sdelay $0x1  }
0xd0: {  	s5 =	sadd.s32 $0x4, s5;
	_, v63, vm15 =	vpop (xrf1)  }
0xd1: {  	p1 =	slt.u32 s5, $0x7C  }
.Ltmp2:
0xd2: {  	s31 =	sadd.s32 $0x30, s6;
	(pc) =	sbr.rel @p1 .LBB2_5-.Ltmp2, $4  }
0xd3: {  	[tilespmem:v4+s9+$0x0] =	vst.idx.msk $0xffff, v1;
	v1 =	vor.u32 s31, v0  }
0xd4: {  	[tilespmem:v4+s10+$0x0] =	vst.idx.msk $0xffff, v1  }
0xd5: {  	[tilespmem:v2+s8+$0x0] =	vst.idx.msk vm14, v4  }
0xd6: {  	s6 =	sadd.s32 $0x40, s6;
	s7 =	sadd.s32 $0x40, s7;
	[tilespmem:v3+s11+$0x0] =	vst.idx.add.s32.msk vm15, v63  }
0xd7: {  	s7 =	simm.s32 $0x0  }
0xd8: {  	v1 =	vld [tilespmem:s7+$0x4400];
	_ =	sdelay $0x4  }
0xd9: {  	(xrf0) =	vadd.scan.msk.s32 $0xffff, v1;
	_ =	sdelay $0x5  }
0xda: {  	v2, _, _ =	vpop (xrf0)  }
0xdb: {  	s5 =	simm.s32 $0xFFFFFFFF;
	(v2sf) =	vpush v2, $0xF  }
0xdc: {  	v0 =	vimm.s32 $0x0;
	v1 =	vsub.s32 s5, v1  }
0xdd: {  	[tilespmem:s7+$0x4000] =	vst v0;
	v1 =	vadd.s32 v2, v1  }
0xde: {  	s9 =	simm.s32 $0x10;
	s6 =	simm.s32 $0x80;
	[tilespmem:s7+$0x4400] =	vst v1  }
.LBB2_7:
0xdf: {  	p1 =	sne.s32 s6, $0xFC0;
	v1 =	vld [tilespmem:s9+$0x4400];
	[tilespmem:s9+$0x4000] =	vst v0;
	_ =	sdelay $0x4  }
0xe0: {  	(xrf0) =	vadd.scan.msk.s32 $0xffff, v1;
	_ =	sdelay $0x5  }
.Ltmp3:
0xe1: {  	v2, _, _ =	vpop (xrf0);
	s7 =	spop (v2sf);
	(pc) =	sbr.rel @p1 .LBB2_7-.Ltmp3, $4  }
0xe2: {  	(v2sf) =	vpush v2, $0xF;
	s5 =	sadd.s32 s5, s7  }
0xe3: {  	v1 =	vsub.s32 s5, v1  }
0xe4: {  	v1 =	vadd.s32 v2, v1  }
0xe5: {  	[tilespmem:s9+$0x4400] =	vst v1;
	s9 =	sshra.s32 s6, $0x2;
	s6 =	sadd.s32 $0x40, s6  }
0xe6: {  	v1 =	vld [tilespmem:s9+$0x4400];
	_ =	sdelay $0x4  }
0xe7: {  	(xrf0) =	vadd.scan.msk.s32 $0xffff, v1;
	_ =	sdelay $0x5  }
0xe8: {  	v2, _, _ =	vpop (xrf0)  }
0xe9: {  	(v2sf) =	vpush v2, $0xF;
	_ =	sdelay $0xa  }
0xea: {  	s6 =	spop (v2sf)  }
0xeb: {  	s5 =	sadd.s32 s5, s6  }
0xec: {  	s7 =	simm.s32 $0x3020;
	s8 =	simm.s32 $0x4400;
	v1 =	vsub.s32 s5, v1  }
0xed: {  	[tilespmem:s9+$0x4000] =	vst v0;
	s10 =	simm.s32 $0x2800;
	s11 =	simm.s32 $0x4000;
	s6 =	simm.s32 $0x3820;
	v63 =	vadd.s32 v2, v1  }
0xee: {  	s5 =	simm.s32 $0xFFFFFFFC;
	[tilespmem:s9+$0x4400] =	vst v63;
	s9 =	simm.s32 $0x2000;
	s31 =	spop (v2sf)  }
.LBB2_9:
0xef: {  	v0 =	vld [tilespmem:s7+$0xFFFFFFE0];
	_ =	sdelay $0x4  }
0xf0: {  	v1 =	vshrl.u32 v0, $0xA  }
0xf1: {  	v1 =	vand.u32 $0x3FF, v1  }
0xf2: {  	(xrf1) =	vunique.msk.u32 $0xffff, v1  }
0xf3: {  	v2 =	vshrl.u32 v0, $0x14  }
0xf4: {  	v2 =	vand.u32 $0x3FF, v2  }
0xf5: {  	(xrf1) =	vunique.msk.u32 $0xffff, v2;
	_ =	sdelay $0x6  }
0xf6: {  	v3 =	vld.idx.msk [tilespmem:v1+s8+$0x0], $0xffff;
	_ =	sdelay $0x3  }
0xf7: {  	_, v4, vm0 =	vpop (xrf1)  }
0xf8: {  	v3 =	vadd.s32 v3, v4  }
0xf9: {  	v51 =	vld [tilespmem:s6+$0xFFFFFFE0]  }
0xfa: {  	_, v5, vm1 =	vpop (xrf1);
	_ =	sdelay $0x2  }
0xfb: {  	[tilespmem:v3+s9+$0x0] =	vst.idx.msk $0xffff, v0  }
0xfc: {  	[tilespmem:v3+s10+$0x0] =	vst.idx.msk $0xffff, v51  }
0xfd: {  	[tilespmem:v1+s8+$0x0] =	vst.idx.msk vm0, v3  }
0xfe: {  	[tilespmem:v2+s11+$0x0] =	vst.idx.add.s32.msk vm1, v5  }
0xff: {  	v0 =	vld [tilespmem:s7+$0xFFFFFFF0];
	_ =	sdelay $0x4  }
0x100: {  	v52 =	vshrl.u32 v0, $0xA  }
0x101: {  	v1 =	vand.u32 $0x3FF, v52  }
0x102: {  	(xrf1) =	vunique.msk.u32 $0xffff, v1  }
0x103: {  	v53 =	vshrl.u32 v0, $0x14  }
0x104: {  	v2 =	vand.u32 $0x3FF, v53  }
0x105: {  	(xrf1) =	vunique.msk.u32 $0xffff, v2;
	_ =	sdelay $0x6  }
0x106: {  	v3 =	vld.idx.msk [tilespmem:v1+s8+$0x0], $0xffff;
	_ =	sdelay $0x3  }
0x107: {  	_, v54, vm13 =	vpop (xrf1)  }
0x108: {  	v3 =	vadd.s32 v3, v54  }
0x109: {  	v55 =	vld [tilespmem:s6+$0xFFFFFFF0]  }
0x10a: {  	_, v5, vm1 =	vpop (xrf1);
	_ =	sdelay $0x2  }
0x10b: {  	[tilespmem:v3+s9+$0x0] =	vst.idx.msk $0xffff, v0  }
0x10c: {  	[tilespmem:v3+s10+$0x0] =	vst.idx.msk $0xffff, v55  }
0x10d: {  	[tilespmem:v1+s8+$0x0] =	vst.idx.msk vm13, v3  }
0x10e: {  	[tilespmem:v2+s11+$0x0] =	vst.idx.add.s32.msk vm1, v5  }
0x10f: {  	v0 =	vld [tilespmem:s7+$0x0];
	_ =	sdelay $0x4  }
0x110: {  	v56 =	vshrl.u32 v0, $0xA  }
0x111: {  	v1 =	vand.u32 $0x3FF, v56  }
0x112: {  	(xrf1) =	vunique.msk.u32 $0xffff, v1  }
0x113: {  	v57 =	vshrl.u32 v0, $0x14  }
0x114: {  	v2 =	vand.u32 $0x3FF, v57  }
0x115: {  	(xrf1) =	vunique.msk.u32 $0xffff, v2;
	_ =	sdelay $0x6  }
0x116: {  	v3 =	vld.idx.msk [tilespmem:v1+s8+$0x0], $0xffff;
	_ =	sdelay $0x3  }
0x117: {  	_, v58, vm14 =	vpop (xrf1)  }
0x118: {  	v3 =	vadd.s32 v3, v58  }
0x119: {  	v59 =	vld [tilespmem:s6+$0x0]  }
0x11a: {  	_, v5, vm1 =	vpop (xrf1);
	_ =	sdelay $0x2  }
0x11b: {  	[tilespmem:v3+s9+$0x0] =	vst.idx.msk $0xffff, v0  }
0x11c: {  	[tilespmem:v3+s10+$0x0] =	vst.idx.msk $0xffff, v59  }
0x11d: {  	[tilespmem:v1+s8+$0x0] =	vst.idx.msk vm14, v3  }
0x11e: {  	[tilespmem:v2+s11+$0x0] =	vst.idx.add.s32.msk vm1, v5  }
0x11f: {  	v0 =	vld [tilespmem:s7+$0x10];
	_ =	sdelay $0x4  }
0x120: {  	v60 =	vshrl.u32 v0, $0xA  }
0x121: {  	v1 =	vand.u32 $0x3FF, v60  }
0x122: {  	(xrf1) =	vunique.msk.u32 $0xffff, v1  }
0x123: {  	v61 =	vshrl.u32 v0, $0x14  }
0x124: {  	v2 =	vand.u32 $0x3FF, v61  }
0x125: {  	(xrf1) =	vunique.msk.u32 $0xffff, v2;
	_ =	sdelay $0x6  }
0x126: {  	v3 =	vld.idx.msk [tilespmem:v1+s8+$0x0], $0xffff;
	_ =	sdelay $0x3  }
0x127: {  	_, v62, vm15 =	vpop (xrf1)  }
0x128: {  	v3 =	vadd.s32 v3, v62  }
0x129: {  	v63 =	vld [tilespmem:s6+$0x10]  }
0x12a: {  	s5 =	sadd.s32 $0x4, s5;
	_, v5, vm1 =	vpop (xrf1)  }
0x12b: {  	p1 =	slt.u32 s5, $0x7C  }
.Ltmp4:
0x12c: {  	_ = 	snop;
	(pc) =	sbr.rel @p1 .LBB2_9-.Ltmp4, $4  }
0x12d: {  	[tilespmem:v3+s9+$0x0] =	vst.idx.msk $0xffff, v0  }
0x12e: {  	[tilespmem:v3+s10+$0x0] =	vst.idx.msk $0xffff, v63  }
0x12f: {  	[tilespmem:v1+s8+$0x0] =	vst.idx.msk vm15, v3  }
0x130: {  	s6 =	sadd.s32 $0x40, s6;
	s7 =	sadd.s32 $0x40, s7;
	[tilespmem:v2+s11+$0x0] =	vst.idx.add.s32.msk vm1, v5  }
0x131: {  	s7 =	simm.s32 $0x0  }
0x132: {  	v0 =	vld [tilespmem:s7+$0x4000];
	_ =	sdelay $0x4  }
0x133: {  	(xrf0) =	vadd.scan.msk.s32 $0xffff, v0;
	_ =	sdelay $0x5  }
0x134: {  	v1, _, _ =	vpop (xrf0)  }
0x135: {  	s5 =	simm.s32 $0xFFFFFFFF;
	(v2sf) =	vpush v1, $0xF  }
0x136: {  	v0 =	vsub.s32 s5, v0  }
0x137: {  	v0 =	vadd.s32 v1, v0  }
0x138: {  	s8 =	simm.s32 $0x10;
	s6 =	simm.s32 $0x80;
	[tilespmem:s7+$0x4000] =	vst v0  }
.LBB2_11:
0x139: {  	p1 =	sne.s32 s6, $0xFC0;
	v0 =	vld [tilespmem:s8+$0x4000];
	_ =	sdelay $0x4  }
0x13a: {  	(xrf0) =	vadd.scan.msk.s32 $0xffff, v0;
	_ =	sdelay $0x5  }
.Ltmp5:
0x13b: {  	v1, _, _ =	vpop (xrf0);
	s7 =	spop (v2sf);
	(pc) =	sbr.rel @p1 .LBB2_11-.Ltmp5, $4  }
0x13c: {  	(v2sf) =	vpush v1, $0xF;
	s5 =	sadd.s32 s5, s7  }
0x13d: {  	v0 =	vsub.s32 s5, v0  }
0x13e: {  	v0 =	vadd.s32 v1, v0  }
0x13f: {  	[tilespmem:s8+$0x4000] =	vst v0;
	s8 =	sshra.s32 s6, $0x2;
	s6 =	sadd.s32 $0x40, s6  }
0x140: {  	v0 =	vld [tilespmem:s8+$0x4000];
	_ =	sdelay $0x4  }
0x141: {  	(xrf0) =	vadd.scan.msk.s32 $0xffff, v0;
	_ =	sdelay $0x5  }
0x142: {  	v1, _, _ =	vpop (xrf0)  }
0x143: {  	(v2sf) =	vpush v1, $0xF;
	_ =	sdelay $0xa  }
0x144: {  	s6 =	spop (v2sf)  }
0x145: {  	s5 =	sadd.s32 s5, s6  }
0x146: {  	s7 =	simm.s32 $0x2020;
	v0 =	vsub.s32 s5, v0  }
0x147: {  	s9 =	simm.s32 $0x3000;
	s10 =	simm.s32 $0x3800;
	s6 =	simm.s32 $0x2820;
	v0 =	vadd.s32 v1, v0  }
0x148: {  	s5 =	simm.s32 $0xFFFFFFFC;
	[tilespmem:s8+$0x4000] =	vst v0;
	s8 =	simm.s32 $0x4000;
	s31 =	spop (v2sf)  }
.LBB2_13:
0x149: {  	v0 =	vld [tilespmem:s7+$0xFFFFFFE0];
	_ =	sdelay $0x4  }
0x14a: {  	v1 =	vshrl.u32 v0, $0x14  }
0x14b: {  	v1 =	vand.u32 $0x3FF, v1  }
0x14c: {  	(xrf1) =	vunique.msk.u32 $0xffff, v1;
	_ =	sdelay $0x9  }
0x14d: {  	v2 =	vld.idx.msk [tilespmem:v1+s8+$0x0], $0xffff;
	_ =	sdelay $0x3  }
0x14e: {  	_, v3, vm0 =	vpop (xrf1)  }
0x14f: {  	v2 =	vadd.s32 v2, v3  }
0x150: {  	v54 =	vld [tilespmem:s6+$0xFFFFFFE0];
	_ =	sdelay $0x3  }
0x151: {  	[tilespmem:v2+s9+$0x0] =	vst.idx.msk $0xffff, v0  }
0x152: {  	[tilespmem:v2+s10+$0x0] =	vst.idx.msk $0xffff, v54  }
0x153: {  	[tilespmem:v1+s8+$0x0] =	vst.idx.msk vm0, v2  }
0x154: {  	v0 =	vld [tilespmem:s7+$0xFFFFFFF0];
	_ =	sdelay $0x4  }
0x155: {  	v55 =	vshrl.u32 v0, $0x14  }
0x156: {  	v1 =	vand.u32 $0x3FF, v55  }
0x157: {  	(xrf1) =	vunique.msk.u32 $0xffff, v1;
	_ =	sdelay $0x9  }
0x158: {  	v2 =	vld.idx.msk [tilespmem:v1+s8+$0x0], $0xffff;
	_ =	sdelay $0x3  }
0x159: {  	_, v56, vm13 =	vpop (xrf1)  }
0x15a: {  	v2 =	vadd.s32 v2, v56  }
0x15b: {  	v57 =	vld [tilespmem:s6+$0xFFFFFFF0];
	_ =	sdelay $0x3  }
0x15c: {  	[tilespmem:v2+s9+$0x0] =	vst.idx.msk $0xffff, v0  }
0x15d: {  	[tilespmem:v2+s10+$0x0] =	vst.idx.msk $0xffff, v57  }
0x15e: {  	[tilespmem:v1+s8+$0x0] =	vst.idx.msk vm13, v2  }
0x15f: {  	v0 =	vld [tilespmem:s7+$0x0];
	_ =	sdelay $0x4  }
0x160: {  	v58 =	vshrl.u32 v0, $0x14  }
0x161: {  	v1 =	vand.u32 $0x3FF, v58  }
0x162: {  	(xrf1) =	vunique.msk.u32 $0xffff, v1;
	_ =	sdelay $0x9  }
0x163: {  	v2 =	vld.idx.msk [tilespmem:v1+s8+$0x0], $0xffff;
	_ =	sdelay $0x3  }
0x164: {  	_, v59, vm14 =	vpop (xrf1)  }
0x165: {  	v2 =	vadd.s32 v2, v59  }
0x166: {  	v60 =	vld [tilespmem:s6+$0x0];
	_ =	sdelay $0x3  }
0x167: {  	[tilespmem:v2+s9+$0x0] =	vst.idx.msk $0xffff, v0  }
0x168: {  	[tilespmem:v2+s10+$0x0] =	vst.idx.msk $0xffff, v60  }
0x169: {  	[tilespmem:v1+s8+$0x0] =	vst.idx.msk vm14, v2  }
0x16a: {  	v0 =	vld [tilespmem:s7+$0x10];
	_ =	sdelay $0x4  }
0x16b: {  	v61 =	vshrl.u32 v0, $0x14  }
0x16c: {  	v1 =	vand.u32 $0x3FF, v61  }
0x16d: {  	(xrf1) =	vunique.msk.u32 $0xffff, v1;
	_ =	sdelay $0x9  }
0x16e: {  	v2 =	vld.idx.msk [tilespmem:v1+s8+$0x0], $0xffff;
	_ =	sdelay $0x3  }
0x16f: {  	_, v62, vm15 =	vpop (xrf1)  }
0x170: {  	v2 =	vadd.s32 v2, v62  }
0x171: {  	s5 =	sadd.s32 $0x4, s5;
	v63 =	vld [tilespmem:s6+$0x10]  }
0x172: {  	p1 =	slt.u32 s5, $0x7C  }
.Ltmp6:
0x173: {  	_ = 	snop;
	(pc) =	sbr.rel @p1 .LBB2_13-.Ltmp6, $4  }
0x174: {  	_ = 	snop  }
0x175: {  	[tilespmem:v2+s9+$0x0] =	vst.idx.msk $0xffff, v0  }
0x176: {  	[tilespmem:v2+s10+$0x0] =	vst.idx.msk $0xffff, v63  }
0x177: {  	s6 =	sadd.s32 $0x40, s6;
	s7 =	sadd.s32 $0x40, s7;
	[tilespmem:v1+s8+$0x0] =	vst.idx.msk vm15, v2  }
.Ltmp7:
0x178: {  	(pc) =	sbr.rel @!p0 .LBB2_15-.Ltmp7, $4  }
0x179: {  	_ = 	snop  }
0x17a: {  	s5 =	sshll.u32 s2, $0xA  }
0x17b: {  	s3 =	sadd.s32 s5, s3  }
0x17c: {  	s5 =	sadd.s32 $0x100, s3  }
0x17d: {  	[bflag:$0x0] =	sbarrier.arrive $0xFFFF;
	s6 =	simm.s32 $0x4800;
	s7 =	simm.s32 $0x1  }
0x17e: {  	[tilespmem:s6], [sflag:$0x1] =	stream.linear.gather [spmem:s3], $0xD0, $0x38;
	[tilespmem:$0x4D00] =	vst v63  }
0x17f: {  	_ =	swait.ge [sflag:s7], $0xD0  }
0x180: {  	[sflag:s7] =	ssyncset.done $0x0  }
0x181: {  	s3 =	simm.s32 $0x4900;
	[sflag:s7] =	ssyncadd.s32 $0xFFFFFF30  }
0x182: {  	[tilespmem:s3], [sflag:$0x1] =	stream.linear.gather [spmem:s5], $0xD0, $0x38;
	[tilespmem:$0x4D00] =	vst v63  }
0x183: {  	_ =	swait.ge [sflag:s7], $0xD0  }
0x184: {  	[sflag:s7] =	ssyncset.done $0x0  }
0x185: {  	s30 =	simm.s32 $0x3730;
	[sflag:s7] =	ssyncadd.s32 $0xFFFFFF30  }
0x186: {  	v1 =	vld [tilespmem:s30+$0x0]  }
0x187: {  	v2 =	vld [tilespmem:s6+$0x0]  }
0x188: {  	v0 =	vlaneseq.u32;
	s5 =	simm.s32 $0x3F30;
	v3 =	vld [tilespmem:s3+$0x0]  }
0x189: {  	v0 =	vmul.u32 $0xFFFFFFFF, v0;
	v4 =	vld [tilespmem:s5+$0x0]  }
0x18a: {  	s31 =	simm.s32 $0x730  }
0x18b: {  	v5 =	vmov s31;
	v0 =	vadd.s32 $0x733, v0;
	v1 =	vsub.s32 $0x3F800000, v1  }
0x18c: {  	vm0 =	vgt.u32 v5, v0;
	vm1 =	vgt.s32 v2, v1  }
0x18d: {  	v1 =	vadd.s32 $0x800, v3;
	vm0 =	vmand vm0, vm1  }
0x18e: {  	s2 =	sshll.u32 s2, $0x8;
	s6 =	simm.s32 $0x4A00;
	v1 =	vsel vm0, v1, v4  }
0x18f: {  	s8 =	simm.s32 $0x3740;
	s10 =	simm.s32 $0x750;
	s4 =	sadd.s32 s4, s2;
	[tilespmem:s6+$0x0] =	vst v1  }
0x190: {  	s9 =	simm.s32 $0x4810;
	s2 =	sadd.s32 $0xE6, s4;
	s7 =	simm.s32 $0x740;
	v1 =	vld [tilespmem:s8+$0x0]  }
.LBB2_17:
0x191: {  	p0 =	sne.s32 s10, $0x7F0;
	v2 =	vld [tilespmem:s9+$0x0];
	s3 =	sadd.s32 $0x10, s3  }
0x192: {  	s5 =	sadd.s32 $0x10, s5;
	v3 =	vld [tilespmem:s3+$0x0]  }
0x193: {  	v4 =	vld [tilespmem:s5+$0x0];
	_ =	sdelay $0x1  }
0x194: {  	v5 =	vmov s7;
	s7 =	smov.u32 s10;
	v1 =	vsub.s32 $0x3F800000, v1  }
.Ltmp8:
0x195: {  	vm0 =	vgt.u32 v5, v0;
	vm1 =	vgt.s32 v2, v1;
	(pc) =	sbr.rel @p0 .LBB2_17-.Ltmp8, $4  }
0x196: {  	vm0 =	vmand vm0, vm1;
	v1 =	vadd.s32 $0x800, v3  }
0x197: {  	s6 =	sadd.s32 $0x10, s6;
	v1 =	vsel vm0, v1, v4  }
0x198: {  	s8 =	sadd.s32 $0x10, s8;
	[tilespmem:s6+$0x0] =	vst v1  }
0x199: {  	s10 =	sadd.s32 $0x10, s10;
	s9 =	sadd.s32 $0x10, s9;
	v1 =	vld [tilespmem:s8+$0x0]  }
0x19a: {  	v2 =	vld [tilespmem:s9+$0x0];
	s3 =	sadd.s32 $0x10, s3  }
0x19b: {  	s25 =	sadd.s32 $0x10, s5;
	v3 =	vld [tilespmem:s3+$0x0]  }
0x19c: {  	v4 =	vld [tilespmem:s25+$0x0];
	_ =	sdelay $0x1  }
0x19d: {  	v5 =	vmov s7;
	v1 =	vsub.s32 $0x3F800000, v1  }
0x19e: {  	vm0 =	vgt.u32 v5, v0;
	vm1 =	vgt.s32 v2, v1  }
0x19f: {  	vm0 =	vmand vm0, vm1;
	v63 =	vadd.s32 $0x800, v3  }
0x1a0: {  	s26 =	sadd.s32 $0x10, s6;
	v0 =	vsel vm0, v63, v4  }
0x1a1: {  	s28 =	simm.s32 $0x0;
	s29 =	simm.s32 $0x3800;
	s30 =	simm.s32 $0x1;
	[tilespmem:s26+$0x0] =	vst v0  }
0x1a2: {  	[hbm4b:s4+s28] =	stream.linear.scatter [tilespmem:s29], [sflag:$0x1], $0x730, $0x38;
	[tilespmem:$0x4D00] =	vst v63  }
0x1a3: {  	_ =	swait.ge [sflag:s30], $0x730  }
0x1a4: {  	[sflag:s30] =	ssyncset.done $0x0  }
.Ltmp9:
0x1a5: {  	s31 =	simm.s32 $0x4A00;
	[sflag:s30] =	ssyncadd.s32 $0xFFFFF8D0;
	(pc) =	sbr.rel .LBB2_19-.Ltmp9, $4  }
0x1a6: {  	[hbm4b:s2+s28] =	stream.linear.scatter [tilespmem:s31], [sflag:$0x1], $0xD0, $0x38;
	[tilespmem:$0x4D00] =	vst v63  }
0x1a7: {  	_ =	swait.ge [sflag:s30], $0xD0  }
0x1a8: {  	[sflag:s30] =	ssyncset.done $0x0  }
0x1a9: {  	[sflag:s30] =	ssyncadd.s32 $0xFFFFFF30  }
.LBB2_15:
0x1aa: {  	s2 =	simm.s32 $0x3730;
	s30 =	simm.s32 $0x1  }
0x1ab: {  	[spmem:s3] =	stream.linear.scatter [tilespmem:s2], [sflag:$0x1], $0xD0, $0x38;
	[tilespmem:$0x4D00] =	vst v63  }
0x1ac: {  	_ =	swait.ge [sflag:s30], $0xD0  }
0x1ad: {  	[sflag:s30] =	ssyncset.done $0x0  }
0x1ae: {  	s31 =	simm.s32 $0x3F30;
	[sflag:s30] =	ssyncadd.s32 $0xFFFFFF30  }
0x1af: {  	[spmem:s5] =	stream.linear.scatter [tilespmem:s31], [sflag:$0x1], $0xD0, $0x38;
	[tilespmem:$0x4D00] =	vst v63  }
0x1b0: {  	_ =	swait.ge [sflag:s30], $0xD0  }
0x1b1: {  	[sflag:s30] =	ssyncset.done $0x0  }
0x1b2: {  	[sflag:s30] =	ssyncadd.s32 $0xFFFFFF30  }
0x1b3: {  	[bflag:$0x0] =	sbarrier.arrive $0xFFFF  }
.LBB2_19:
0x1b4: {  	_ =	sfence.sel $0x180000  }
0x1b5: {  	[bflag:$0x0] =	sbarrier.arrive $0xFFFF  }
0x1b6: {  	p0 =	sne.s32 s1, $0x0;
	_ =	strace $0x90000047  }
0x1b7: {  	s0 =	sadd.s32 @!p0 $0x100000, s0;
	[bflag:$0x2] =	sbarrier.arrive $0xFFFF  }
0x1b8: {  	[sflag:s0] =	ssyncadd.tile.s32 @!p0 $0x1;
	_ =	shalt  }
.Lfunc_end2:
_tile_overlayer_lowered:
.L_overlay_start_2:
0x1b9: {  	(tag) =	ssettag $0x2  }
0x1ba: {  	s0 =	rddreg [dreg:$0x0];
	s2 =	stileid.u32  }
0x1bb: {  	s1 =	rddreg [dreg:$0x1];
	p0 =	sne.s32 s2, $0x0  }
0x1bc: {  	s3 =	rddreg [dreg:$0x2];
	[bflag:$0x3] =	sbarrier.arrive $0xFFFF;
	s2 =	simm.s32 @!p0 $0x1C01  }
0x1bd: {  	[timem:s3], [sflag:s2] =	dma.local @!p0 [hbm:s0], s1  }
0x1be: {  	s0 =	simm.s32 @!p0 $0x1  }
0x1bf: {  	_ =	swait.ge @!p0 [sflag:s0], s1  }
0x1c0: {  	s1 =	ssub.s32 @!p0 $0x0, s1;
	[sflag:s0] =	ssyncset.done @!p0 $0x0  }
0x1c1: {  	[sflag:s0] =	ssyncadd.s32 @!p0 s1  }
0x1c2: {  	[bflag:$0x3] =	sbarrier.arrive $0xFFFF  }
0x1c3: {  	_ =	shalt  }

</sc_bundles>
